<compile_context>
chip_gen: v7x
topology: tpu7x:2x2x1
jax: 0.10.2.dev20260603
libtpu: 0.0.44.dev20260713+nightly
codegen_flags: <defaults>
</compile_context>

<pallas_src>
import functools

import jax
import jax.numpy as jnp
from jax import lax
from jax.experimental import pallas as pl
from jax.experimental.pallas import tpu as pltpu
from jax.experimental.pallas import tpu_sc as plsc

_E = 8
_INNER = 8
_BSZ = 32
_OUT = _INNER * _BSZ
_HID = 1024
_TOK = 2048
_TILE = 128
_NT = 40
_NP = _NT * _TILE
_NW = 32
_RPW = _NP // _NW
_CH = 32
_NCH = _RPW // _CH

_pallas_call = pl.pallas_call


def _router_body(x_ref, w_ref, w01_ref, d01_ref, et_ref):
    x = x_ref[...]
    w = w_ref[...]
    logits = jax.lax.dot_general(
        x, w, (((1,), (1,)), ((), ())), preferred_element_type=jnp.float32)
    m = jnp.max(logits, axis=-1, keepdims=True)
    ex = jnp.exp(logits - m)
    sm = ex / jnp.sum(ex, axis=-1, keepdims=True)
    iot = jax.lax.broadcasted_iota(jnp.int32, sm.shape, 1)
    v0 = jnp.max(sm, axis=-1, keepdims=True)
    a0 = jnp.min(jnp.where(sm == v0, iot, _E), axis=-1, keepdims=True)
    sm1 = jnp.where(iot == a0, -1.0, sm)
    v1 = jnp.max(sm1, axis=-1, keepdims=True)
    a1 = jnp.min(jnp.where(sm1 == v1, iot, _E), axis=-1, keepdims=True)
    s = v0 + v1
    w01_ref[...] = jnp.where(iot == 0, v0 / s, jnp.where(iot == 1, v1 / s, 0.0))
    cmat = ((a0 == iot).astype(jnp.float32) + (a1 == iot).astype(jnp.float32))
    counts = jnp.sum(cmat, axis=0, keepdims=True)
    padded = jnp.ceil(counts / _TILE) * _TILE
    base = jnp.zeros((1, _E), jnp.float32)
    for j in range(_E - 1):
        base = base + jnp.where(iot[:1, :] > j, padded[:, j:j + 1], 0.0)
    blk = 512
    bi = jax.lax.broadcasted_iota(jnp.int32, (blk, blk), 0)
    bj = jax.lax.broadcasted_iota(jnp.int32, (blk, blk), 1)
    tril = (bj < bi).astype(jnp.float32)
    running = jnp.zeros((1, _E), jnp.float32)
    for b in range(x.shape[0] // blk):
        lo = b * blk
        cb = cmat[lo:lo + blk, :]
        pexc = jax.lax.dot_general(
            tril, cb, (((1,), (0,)), ((), ())),
            preferred_element_type=jnp.float32) + running
        running = running + jnp.sum(cb, axis=0, keepdims=True)
        a0b = a0[lo:lo + blk, :]
        a1b = a1[lo:lo + blk, :]
        bp = base + pexc
        iotb = iot[:blk, :]
        d0 = jnp.sum(jnp.where(a0b == iotb, bp, 0.0), axis=1, keepdims=True)
        d1 = jnp.sum(jnp.where(a1b == iotb, bp, 0.0), axis=1, keepdims=True)
        d01_ref[lo:lo + blk, :] = jnp.concatenate(
            [d0.astype(jnp.int32), d1.astype(jnp.int32)], axis=1)
    ti = (jax.lax.broadcasted_iota(jnp.int32, (1, _NT), 1)
          .astype(jnp.float32) * _TILE)
    etf = jnp.zeros((1, _NT), jnp.float32)
    for e in range(_E):
        etf = etf + (ti >= base[:, e:e + 1]).astype(jnp.float32)
    et_ref[...] = etf.astype(jnp.int32) - 1


def _sc_dispatch(x, d0, d1):
    mesh = plsc.VectorSubcoreMesh(core_axis_name="c", subcore_axis_name="s")

    @functools.partial(
        pl.kernel, mesh=mesh,
        out_type=jax.ShapeDtypeStruct((_NP, _HID), jnp.float32),
        scratch_types=[
            pltpu.VMEM((32,), jnp.int32),
            pltpu.VMEM((32,), jnp.int32),
            pltpu.VMEM((32,), jnp.int32),
            pltpu.VMEM((32,), jnp.int32),
            pltpu.VMEM((32, _HID), jnp.float32),
            pltpu.VMEM((32, _HID), jnp.float32),
            pltpu.SemaphoreType.DMA,
            pltpu.SemaphoreType.DMA,
            pltpu.SemaphoreType.DMA,
            pltpu.SemaphoreType.DMA,
        ],
    )
    def k(x_hbm, d0_hbm, d1_hbm, xs_hbm, de0, do0, de1, do1, rows0, rows1,
          s00, s01, s10, s11):
        wid = lax.axis_index("s") * 2 + lax.axis_index("c")
        tok0 = wid * 64
        de = (de0, de1)
        do = (do0, do1)
        rows = (rows0, rows1)
        sa = (s00, s10)
        sb = (s01, s11)
        copies = []
        for c in range(2):
            pltpu.sync_copy(d0_hbm.at[pl.ds(tok0 + 32 * c, 32)], de[c])
            pltpu.sync_copy(d1_hbm.at[pl.ds(tok0 + 32 * c, 32)], do[c])
            pltpu.sync_copy(x_hbm.at[pl.ds(tok0 + 32 * c, 32)], rows[c])
            copies.append(pltpu.async_copy(rows[c], xs_hbm.at[de[c]], sa[c]))
            copies.append(pltpu.async_copy(rows[c], xs_hbm.at[do[c]], sb[c]))
        for cp in copies:
            cp.wait()

    return k(x, d0, d1)


def _gmm_body(et_ref, xs_ref, wg_ref, wu_ref, avg_ref, pk_ref):
    i = pl.program_id(0)
    e = et_ref[i]
    x = xs_ref[...]
    wg = wg_ref[pl.ds(e, 1)][0]
    wu = wu_ref[pl.ds(e, 1)][0]
    g = jax.lax.dot_general(
        x, wg, (((1,), (1,)), ((), ())), preferred_element_type=jnp.float32)
    u = jax.lax.dot_general(
        x, wu, (((1,), (1,)), ((), ())), preferred_element_type=jnp.float32)
    p = jnp.abs(u * g * jax.nn.sigmoid(g))
    n = p.shape[0]
    s = jax.lax.dot_general(
        p, avg_ref[...], (((1,), (0,)), ((), ())),
        preferred_element_type=jnp.float32)
    jot = jax.lax.broadcasted_iota(jnp.int32, (n, _INNER), 1)
    r = jnp.zeros((n, _INNER), jnp.int32)
    for jp in range(_INNER):
        c = s[:, jp:jp + 1]
        r = r + ((c > s) | ((c == s) & (jp < jot))).astype(jnp.int32)
    pk = e * 4096 + jnp.sum(
        jnp.where(r < 4, jnp.left_shift(jot, 3 * r), 0),
        axis=1, keepdims=True)
    pk_ref[...] = jnp.broadcast_to(pk, (n, 128))


def _sc_gather_words(pk, d0, d1):
    mesh = plsc.VectorSubcoreMesh(core_axis_name="c", subcore_axis_name="s")
    tpw = _TOK // _NW

    @functools.partial(
        pl.kernel, mesh=mesh,
        out_type=(jax.ShapeDtypeStruct((_TOK, 128), jnp.int32),
                  jax.ShapeDtypeStruct((_TOK, 128), jnp.int32)),
        scratch_types=[
            pltpu.VMEM((tpw,), jnp.int32),
            pltpu.VMEM((tpw,), jnp.int32),
            pltpu.VMEM((tpw, 128), jnp.int32),
            pltpu.VMEM((tpw, 128), jnp.int32),
            pltpu.SemaphoreType.DMA,
            pltpu.SemaphoreType.DMA,
        ],
    )
    def k(pk_hbm, d0_hbm, d1_hbm, o0_hbm, o1_hbm, i0, i1, r0, r1, s0, s1):
        wid = lax.axis_index("s") * 2 + lax.axis_index("c")
        base = wid * tpw
        pltpu.sync_copy(d0_hbm.at[pl.ds(base, tpw)], i0)
        pltpu.sync_copy(d1_hbm.at[pl.ds(base, tpw)], i1)
        c0 = pltpu.async_copy(pk_hbm.at[i0], r0, s0)
        c1 = pltpu.async_copy(pk_hbm.at[i1], r1, s1)
        c0.wait()
        pltpu.sync_copy(r0, o0_hbm.at[pl.ds(base, tpw)])
        c1.wait()
        pltpu.sync_copy(r1, o1_hbm.at[pl.ds(base, tpw)])

    return k(pk, d0, d1)


def _select_body(p0_ref, p1_ref, w01_ref, fw_ref, fid_ref):
    pk0 = p0_ref[:, 0:1]
    pk1 = p1_ref[:, 0:1]
    w01 = w01_ref[...]
    n = pk0.shape[0]
    e0 = pk0 >> 12
    e1 = pk1 >> 12
    t = [(pk0 >> (3 * rr)) & 7 for rr in range(4)]
    for (a, b) in ((0, 1), (2, 3), (0, 2), (1, 3), (1, 2)):
        hi = jnp.maximum(t[a], t[b])
        lo = jnp.minimum(t[a], t[b])
        t[a], t[b] = hi, lo
    ids0 = [x + e0 * _INNER for x in t]
    s1a = pk1 & 7
    s1b = (pk1 >> 3) & 7
    ids1 = [jnp.maximum(s1a, s1b) + e1 * _INNER,
            jnp.minimum(s1a, s1b) + e1 * _INNER]
    ids_a = jnp.concatenate(ids0 + ids1, axis=1)
    ids_b = jnp.concatenate(ids1 + ids0, axis=1)
    fid_ref[...] = jnp.where(e0 > e1, ids_a, ids_b)
    w0 = w01[:, 0:1]
    w1 = w01[:, 1:2]
    fw_ref[...] = jnp.concatenate(
        [jnp.broadcast_to(w0, (n, 4)), jnp.broadcast_to(w1, (n, 2))], axis=1)


def kernel(hidden_states, gating_output, topk, renormalize, out_gate_weight,
           stacked_in_gate_weights, stacked_in_up_weights):
    del gating_output, topk, renormalize
    x = hidden_states.astype(jnp.float32)
    n = x.shape[0]

    w01, d01, et2 = _pallas_call(
        _router_body,
        out_shape=(
            jax.ShapeDtypeStruct((n, _E), jnp.float32),
            jax.ShapeDtypeStruct((n, 2), jnp.int32),
            jax.ShapeDtypeStruct((1, _NT), jnp.int32),
        ),
    )(x, out_gate_weight.astype(jnp.float32))

    d0 = d01[:, 0].reshape(-1)
    d1 = d01[:, 1].reshape(-1)
    xs = _sc_dispatch(x, d0, d1)

    avg = (jnp.equal(
        jnp.arange(_OUT)[:, None] // _BSZ,
        jnp.arange(_INNER)[None, :]).astype(jnp.float32) / _BSZ)

    pk = _pallas_call(
        _gmm_body,
        grid_spec=pltpu.PrefetchScalarGridSpec(
            num_scalar_prefetch=1,
            grid=(_NT,),
            in_specs=[
                pl.BlockSpec((_TILE, _HID), lambda i, et: (i, 0)),
                pl.BlockSpec((_E, _OUT, _HID), lambda i, et: (0, 0, 0)),
                pl.BlockSpec((_E, _OUT, _HID), lambda i, et: (0, 0, 0)),
                pl.BlockSpec((_OUT, _INNER), lambda i, et: (0, 0)),
            ],
            out_specs=pl.BlockSpec((_TILE, 128), lambda i, et: (i, 0)),
        ),
        out_shape=jax.ShapeDtypeStruct((_NP, 128), jnp.int32),
    )(et2.reshape(-1), xs, stacked_in_gate_weights, stacked_in_up_weights, avg)

    p0, p1 = _sc_gather_words(pk, d0, d1)

    fw, fid = _pallas_call(
        _select_body,
        out_shape=(
            jax.ShapeDtypeStruct((n, 6), jnp.float32),
            jax.ShapeDtypeStruct((n, 6), jnp.int32),
        ),
    )(p0, p1, w01)
    return fw, fid

# --- scband reference (transcript-rebuilt; emitter-appended) ---
"""Pipeline reference for scband-router-compound-fast-41558103556216 (READ-ONLY COPY).

The authoritative reference and input builder live on the scoring server;
editing this copy changes nothing except your own understanding.
"""

import jax, jax.numpy as jnp
import numpy as np

E = 8
INNER_NUM = 8
BIGGER_SIZE = 32
ACTI_NUM = 2
ACTI_PATTERN = (4, 2)
MAX_TOPK = 4
TOTAL_ACT = 6
HIDDEN = 1024
TOKENS = 2048


def setup_inputs(seed: int = 0) -> dict:
    key = jax.random.key(seed)
    k1, k2, k3, k4, k5 = jax.random.split(key, 5)
    hidden_states = jax.random.normal(k1, (TOKENS, HIDDEN), dtype=jnp.float32)
    gating_output = jax.random.normal(k2, (TOKENS, E), dtype=jnp.float32)
    out_gate_weight = jax.random.normal(k3, (E, HIDDEN), dtype=jnp.float32) * 0.02
    stacked_in_gate_weights = jax.random.normal(k4, (E, BIGGER_SIZE * INNER_NUM, HIDDEN), dtype=jnp.float32) * 0.02
    stacked_in_up_weights = jax.random.normal(k5, (E, BIGGER_SIZE * INNER_NUM, HIDDEN), dtype=jnp.float32) * 0.02
    return {
        'hidden_states': hidden_states,
        'gating_output': gating_output,
        'topk': 2,
        'renormalize': 1,
        'out_gate_weight': out_gate_weight,
        'stacked_in_gate_weights': stacked_in_gate_weights,
        'stacked_in_up_weights': stacked_in_up_weights,
    }


def _forward(hidden_states, out_gate_weight, gate_w, up_w):
    bs = hidden_states.shape[0]
    # Step 1: outer router logits + softmax + top-k expert selection
    x = hidden_states.astype(jnp.float32)
    logits = x @ out_gate_weight.astype(jnp.float32).T
    out_scores = jax.nn.softmax(logits, axis=-1)
    routing_weights, selected_experts = jax.lax.top_k(out_scores, ACTI_NUM)
    # norm_topk_prob = True
    routing_weights = routing_weights / jnp.sum(routing_weights, axis=-1, keepdims=True)
    # Step 2: flatten tokens per selected expert (repeat_interleave)
    flat_x = jnp.repeat(hidden_states, ACTI_NUM, axis=0)
    flat_expert_ids = selected_experts.reshape(-1)
    flat_weights = routing_weights.reshape(-1)
    # Step 3 (forward_torch): per-token expert gate/up projections.
    # Mathematically identical to gathering stacked weights per token and bmm,
    # expressed as an all-expert einsum followed by a gather to avoid
    # materializing [flat, O, H] gathered weights.
    gate_all = jnp.einsum('th,eoh->teo', flat_x, gate_w)
    up_all = jnp.einsum('th,eoh->teo', flat_x, up_w)
    idx = flat_expert_ids[:, None, None]
    gate_out = jnp.take_along_axis(gate_all, idx, axis=1)[:, 0, :]
    up_out = jnp.take_along_axis(up_all, idx, axis=1)[:, 0, :]
    scores = jnp.abs(up_out * jax.nn.silu(gate_out))
    scores = scores.reshape(-1, INNER_NUM, BIGGER_SIZE)
    all_inner_scores = jnp.mean(scores, axis=2)
    # Step 4: per-slot inner top-k with acti_pattern
    inner_topks = jnp.tile(jnp.array(ACTI_PATTERN, dtype=jnp.int32), bs)
    _, topk_indices = jax.lax.top_k(all_inner_scores, MAX_TOPK)
    arange = jnp.arange(MAX_TOPK)[None, :]
    mask = arange < inner_topks[:, None]
    flat_ids_exp = jnp.broadcast_to(flat_expert_ids[:, None], (flat_expert_ids.shape[0], MAX_TOPK))
    selected_inner_ids = flat_ids_exp * INNER_NUM + topk_indices.astype(flat_ids_exp.dtype)
    expanded_weights = jnp.broadcast_to(flat_weights[:, None], (flat_weights.shape[0], MAX_TOPK))
    ids_masked = jnp.where(mask, selected_inner_ids, jnp.full_like(selected_inner_ids, -10000)).reshape(bs, -1)
    final_ids, _ = jax.lax.top_k(ids_masked, TOTAL_ACT)
    w_masked = jnp.where(mask, expanded_weights, jnp.full_like(expanded_weights, -10000.0)).reshape(bs, -1)
    final_weights, _ = jax.lax.top_k(w_masked, TOTAL_ACT)
    # deepseek_style = False -> (final_weights, final_ids)
    return final_weights, final_ids


def reference(hidden_states, gating_output, topk, renormalize, out_gate_weight, stacked_in_gate_weights, stacked_in_up_weights):
    # gating_output / topk / renormalize are accepted but unused by forward_in,
    # matching the original torch module.
    return _forward(hidden_states, out_gate_weight, stacked_in_gate_weights, stacked_in_up_weights)

if __name__ == "__main__":
    import jax
    _d = setup_inputs()
    print(jax.jit(kernel)(*tuple(_d.values())))

</pallas_src>

<mosaic_0001>
#map = affine_map<(d0, d1) -> (0, 0)>
#map1 = affine_map<(d0, d1) -> (0)>
module attributes {stable_mosaic.version = 14 : i64} {
  func.func @k(%arg0: i32, %arg1: i32, %arg2: memref<2048x1024xf32, #tpu.memory_space<hbm>>, %arg3: memref<2048xi32, #tpu.memory_space<hbm>>, %arg4: memref<2048xi32, #tpu.memory_space<hbm>>, %arg5: memref<5120x1024xf32, #tpu.memory_space<hbm>>, %arg6: memref<32xi32, #tpu.memory_space<vmem>>, %arg7: memref<32xi32, #tpu.memory_space<vmem>>, %arg8: memref<32xi32, #tpu.memory_space<vmem>>, %arg9: memref<32xi32, #tpu.memory_space<vmem>>, %arg10: memref<32x1024xf32, #tpu.memory_space<vmem>>, %arg11: memref<32x1024xf32, #tpu.memory_space<vmem>>, %arg12: memref<!tpu.dma_semaphore, #tpu.memory_space<semaphore_mem>>, %arg13: memref<!tpu.dma_semaphore, #tpu.memory_space<semaphore_mem>>, %arg14: memref<!tpu.dma_semaphore, #tpu.memory_space<semaphore_mem>>, %arg15: memref<!tpu.dma_semaphore, #tpu.memory_space<semaphore_mem>>) attributes {dimension_semantics = [#tpu.dimension_semantics<core_parallel>, #tpu.dimension_semantics<subcore_parallel>], iteration_bounds = array<i64: 2, 16>, scalar_prefetch = 0 : i64, scratch_operands = 10 : i64, tpu.core_type = #tpu.core_type<sc_vector_subcore>, window_params = [{transform_indices = #map}, {transform_indices = #map1}, {transform_indices = #map1}, {transform_indices = #map}]} {
    %mul3A = arith.constant 2 : i32
    %mul3A_0 = arith.muli %arg1, %mul3A : i32
    %add3A = arith.addi %mul3A_0, %arg0 : i32
    %mul3A_1 = arith.constant 64 : i32
    %mul3A_2 = arith.muli %add3A, %mul3A_1 : i32
    %add3A_3 = arith.constant 0 : i32
    %add3A_4 = arith.addi %mul3A_2, %add3A_3 : i32
    "tpu.region"() ({
      %run_scoped3A = tpu.sem_alloc : memref<!tpu.dma_semaphore, #tpu.memory_space<semaphore_mem>>
      %dma_start3A_37 = tpu.memref_slice %arg3[%add3A_4] : memref<2048xi32, #tpu.memory_space<hbm>> -> memref<32xi32, #tpu.memory_space<hbm>>
      %dma_start3A_38 = tpu.memref_slice %arg3[%add3A_4] : memref<2048xi32, #tpu.memory_space<hbm>> -> memref<32xi32, #tpu.memory_space<hbm>>
      tpu.enqueue_dma source(%dma_start3A_38 : memref<32xi32, #tpu.memory_space<hbm>>) target(%arg6 : memref<32xi32, #tpu.memory_space<vmem>>) target_semaphore(%run_scoped3A : memref<!tpu.dma_semaphore, #tpu.memory_space<semaphore_mem>>)
      %dma_wait3A_39 = tpu.memref_slice %arg3[%add3A_4] : memref<2048xi32, #tpu.memory_space<hbm>> -> memref<32xi32, #tpu.memory_space<hbm>>
      %dma_wait3A_40 = tpu.memref_slice %arg3[%add3A_4] : memref<2048xi32, #tpu.memory_space<hbm>> -> memref<32xi32, #tpu.memory_space<hbm>>
      tpu.wait_dma2 semaphore(%run_scoped3A : memref<!tpu.dma_semaphore, #tpu.memory_space<semaphore_mem>>) src(%dma_wait3A_40 : memref<32xi32, #tpu.memory_space<hbm>>) dst(%arg6 : memref<32xi32, #tpu.memory_space<vmem>>)
      tpu.yield
    }) : () -> ()
    %add3A_5 = arith.constant 0 : i32
    %add3A_6 = arith.addi %mul3A_2, %add3A_5 : i32
    "tpu.region"() ({
      %run_scoped3A = tpu.sem_alloc : memref<!tpu.dma_semaphore, #tpu.memory_space<semaphore_mem>>
      %dma_start3A_37 = tpu.memref_slice %arg4[%add3A_6] : memref<2048xi32, #tpu.memory_space<hbm>> -> memref<32xi32, #tpu.memory_space<hbm>>
      %dma_start3A_38 = tpu.memref_slice %arg4[%add3A_6] : memref<2048xi32, #tpu.memory_space<hbm>> -> memref<32xi32, #tpu.memory_space<hbm>>
      tpu.enqueue_dma source(%dma_start3A_38 : memref<32xi32, #tpu.memory_space<hbm>>) target(%arg7 : memref<32xi32, #tpu.memory_space<vmem>>) target_semaphore(%run_scoped3A : memref<!tpu.dma_semaphore, #tpu.memory_space<semaphore_mem>>)
      %dma_wait3A_39 = tpu.memref_slice %arg4[%add3A_6] : memref<2048xi32, #tpu.memory_space<hbm>> -> memref<32xi32, #tpu.memory_space<hbm>>
      %dma_wait3A_40 = tpu.memref_slice %arg4[%add3A_6] : memref<2048xi32, #tpu.memory_space<hbm>> -> memref<32xi32, #tpu.memory_space<hbm>>
      tpu.wait_dma2 semaphore(%run_scoped3A : memref<!tpu.dma_semaphore, #tpu.memory_space<semaphore_mem>>) src(%dma_wait3A_40 : memref<32xi32, #tpu.memory_space<hbm>>) dst(%arg7 : memref<32xi32, #tpu.memory_space<vmem>>)
      tpu.yield
    }) : () -> ()
    %add3A_7 = arith.constant 0 : i32
    %add3A_8 = arith.addi %mul3A_2, %add3A_7 : i32
    "tpu.region"() ({
      %run_scoped3A = tpu.sem_alloc : memref<!tpu.dma_semaphore, #tpu.memory_space<semaphore_mem>>
      %dma_start3A_37 = arith.constant 0 : i32
      %dma_start3A_38 = tpu.memref_slice %arg2[%add3A_8, %dma_start3A_37] : memref<2048x1024xf32, #tpu.memory_space<hbm>> -> memref<32x1024xf32, #tpu.memory_space<hbm>>
      %dma_start3A_39 = arith.constant 0 : i32
      %dma_start3A_40 = tpu.memref_slice %arg2[%add3A_8, %dma_start3A_39] : memref<2048x1024xf32, #tpu.memory_space<hbm>> -> memref<32x1024xf32, #tpu.memory_space<hbm>>
      tpu.enqueue_dma source(%dma_start3A_40 : memref<32x1024xf32, #tpu.memory_space<hbm>>) target(%arg10 : memref<32x1024xf32, #tpu.memory_space<vmem>>) target_semaphore(%run_scoped3A : memref<!tpu.dma_semaphore, #tpu.memory_space<semaphore_mem>>)
      %dma_wait3A_41 = arith.constant 0 : i32
      %dma_wait3A_42 = tpu.memref_slice %arg2[%add3A_8, %dma_wait3A_41] : memref<2048x1024xf32, #tpu.memory_space<hbm>> -> memref<32x1024xf32, #tpu.memory_space<hbm>>
      %dma_wait3A_43 = arith.constant 0 : i32
      %dma_wait3A_44 = tpu.memref_slice %arg2[%add3A_8, %dma_wait3A_43] : memref<2048x1024xf32, #tpu.memory_space<hbm>> -> memref<32x1024xf32, #tpu.memory_space<hbm>>
      tpu.wait_dma2 semaphore(%run_scoped3A : memref<!tpu.dma_semaphore, #tpu.memory_space<semaphore_mem>>) src(%dma_wait3A_44 : memref<32x1024xf32, #tpu.memory_space<hbm>>) dst(%arg10 : memref<32x1024xf32, #tpu.memory_space<vmem>>)
      tpu.yield
    }) : () -> ()
    %dma_start3A = arith.constant 0 : i32
    %dma_start3A_9 = arith.constant 0 : i32
    %dma_start3A_10 = tpu.memref_slice %arg5[%dma_start3A, %dma_start3A_9] : memref<5120x1024xf32, #tpu.memory_space<hbm>> -> memref<5120x1024xf32, #tpu.memory_space<hbm>>
    tpu.enqueue_indirect_dma source(%arg10 : memref<32x1024xf32, #tpu.memory_space<vmem>>) target(%dma_start3A_10 : memref<5120x1024xf32, #tpu.memory_space<hbm>>) offsets(%arg6 : memref<32xi32, #tpu.memory_space<vmem>>) semaphore(%arg12 : memref<!tpu.dma_semaphore, #tpu.memory_space<semaphore_mem>>)
    %dma_start3A_11 = arith.constant 0 : i32
    %dma_start3A_12 = arith.constant 0 : i32
    %dma_start3A_13 = tpu.memref_slice %arg5[%dma_start3A_11, %dma_start3A_12] : memref<5120x1024xf32, #tpu.memory_space<hbm>> -> memref<5120x1024xf32, #tpu.memory_space<hbm>>
    tpu.enqueue_indirect_dma source(%arg10 : memref<32x1024xf32, #tpu.memory_space<vmem>>) target(%dma_start3A_13 : memref<5120x1024xf32, #tpu.memory_space<hbm>>) offsets(%arg7 : memref<32xi32, #tpu.memory_space<vmem>>) semaphore(%arg13 : memref<!tpu.dma_semaphore, #tpu.memory_space<semaphore_mem>>)
    %add3A_14 = arith.constant 32 : i32
    %add3A_15 = arith.addi %mul3A_2, %add3A_14 : i32
    "tpu.region"() ({
      %run_scoped3A = tpu.sem_alloc : memref<!tpu.dma_semaphore, #tpu.memory_space<semaphore_mem>>
      %dma_start3A_37 = tpu.memref_slice %arg3[%add3A_15] : memref<2048xi32, #tpu.memory_space<hbm>> -> memref<32xi32, #tpu.memory_space<hbm>>
      %dma_start3A_38 = tpu.memref_slice %arg3[%add3A_15] : memref<2048xi32, #tpu.memory_space<hbm>> -> memref<32xi32, #tpu.memory_space<hbm>>
      tpu.enqueue_dma source(%dma_start3A_38 : memref<32xi32, #tpu.memory_space<hbm>>) target(%arg8 : memref<32xi32, #tpu.memory_space<vmem>>) target_semaphore(%run_scoped3A : memref<!tpu.dma_semaphore, #tpu.memory_space<semaphore_mem>>)
      %dma_wait3A_39 = tpu.memref_slice %arg3[%add3A_15] : memref<2048xi32, #tpu.memory_space<hbm>> -> memref<32xi32, #tpu.memory_space<hbm>>
      %dma_wait3A_40 = tpu.memref_slice %arg3[%add3A_15] : memref<2048xi32, #tpu.memory_space<hbm>> -> memref<32xi32, #tpu.memory_space<hbm>>
      tpu.wait_dma2 semaphore(%run_scoped3A : memref<!tpu.dma_semaphore, #tpu.memory_space<semaphore_mem>>) src(%dma_wait3A_40 : memref<32xi32, #tpu.memory_space<hbm>>) dst(%arg8 : memref<32xi32, #tpu.memory_space<vmem>>)
      tpu.yield
    }) : () -> ()
    %add3A_16 = arith.constant 32 : i32
    %add3A_17 = arith.addi %mul3A_2, %add3A_16 : i32
    "tpu.region"() ({
      %run_scoped3A = tpu.sem_alloc : memref<!tpu.dma_semaphore, #tpu.memory_space<semaphore_mem>>
      %dma_start3A_37 = tpu.memref_slice %arg4[%add3A_17] : memref<2048xi32, #tpu.memory_space<hbm>> -> memref<32xi32, #tpu.memory_space<hbm>>
      %dma_start3A_38 = tpu.memref_slice %arg4[%add3A_17] : memref<2048xi32, #tpu.memory_space<hbm>> -> memref<32xi32, #tpu.memory_space<hbm>>
      tpu.enqueue_dma source(%dma_start3A_38 : memref<32xi32, #tpu.memory_space<hbm>>) target(%arg9 : memref<32xi32, #tpu.memory_space<vmem>>) target_semaphore(%run_scoped3A : memref<!tpu.dma_semaphore, #tpu.memory_space<semaphore_mem>>)
      %dma_wait3A_39 = tpu.memref_slice %arg4[%add3A_17] : memref<2048xi32, #tpu.memory_space<hbm>> -> memref<32xi32, #tpu.memory_space<hbm>>
      %dma_wait3A_40 = tpu.memref_slice %arg4[%add3A_17] : memref<2048xi32, #tpu.memory_space<hbm>> -> memref<32xi32, #tpu.memory_space<hbm>>
      tpu.wait_dma2 semaphore(%run_scoped3A : memref<!tpu.dma_semaphore, #tpu.memory_space<semaphore_mem>>) src(%dma_wait3A_40 : memref<32xi32, #tpu.memory_space<hbm>>) dst(%arg9 : memref<32xi32, #tpu.memory_space<vmem>>)
      tpu.yield
    }) : () -> ()
    %add3A_18 = arith.constant 32 : i32
    %add3A_19 = arith.addi %mul3A_2, %add3A_18 : i32
    "tpu.region"() ({
      %run_scoped3A = tpu.sem_alloc : memref<!tpu.dma_semaphore, #tpu.memory_space<semaphore_mem>>
      %dma_start3A_37 = arith.constant 0 : i32
      %dma_start3A_38 = tpu.memref_slice %arg2[%add3A_19, %dma_start3A_37] : memref<2048x1024xf32, #tpu.memory_space<hbm>> -> memref<32x1024xf32, #tpu.memory_space<hbm>>
      %dma_start3A_39 = arith.constant 0 : i32
      %dma_start3A_40 = tpu.memref_slice %arg2[%add3A_19, %dma_start3A_39] : memref<2048x1024xf32, #tpu.memory_space<hbm>> -> memref<32x1024xf32, #tpu.memory_space<hbm>>
      tpu.enqueue_dma source(%dma_start3A_40 : memref<32x1024xf32, #tpu.memory_space<hbm>>) target(%arg11 : memref<32x1024xf32, #tpu.memory_space<vmem>>) target_semaphore(%run_scoped3A : memref<!tpu.dma_semaphore, #tpu.memory_space<semaphore_mem>>)
      %dma_wait3A_41 = arith.constant 0 : i32
      %dma_wait3A_42 = tpu.memref_slice %arg2[%add3A_19, %dma_wait3A_41] : memref<2048x1024xf32, #tpu.memory_space<hbm>> -> memref<32x1024xf32, #tpu.memory_space<hbm>>
      %dma_wait3A_43 = arith.constant 0 : i32
      %dma_wait3A_44 = tpu.memref_slice %arg2[%add3A_19, %dma_wait3A_43] : memref<2048x1024xf32, #tpu.memory_space<hbm>> -> memref<32x1024xf32, #tpu.memory_space<hbm>>
      tpu.wait_dma2 semaphore(%run_scoped3A : memref<!tpu.dma_semaphore, #tpu.memory_space<semaphore_mem>>) src(%dma_wait3A_44 : memref<32x1024xf32, #tpu.memory_space<hbm>>) dst(%arg11 : memref<32x1024xf32, #tpu.memory_space<vmem>>)
      tpu.yield
    }) : () -> ()
    %dma_start3A_20 = arith.constant 0 : i32
    %dma_start3A_21 = arith.constant 0 : i32
    %dma_start3A_22 = tpu.memref_slice %arg5[%dma_start3A_20, %dma_start3A_21] : memref<5120x1024xf32, #tpu.memory_space<hbm>> -> memref<5120x1024xf32, #tpu.memory_space<hbm>>
    tpu.enqueue_indirect_dma source(%arg11 : memref<32x1024xf32, #tpu.memory_space<vmem>>) target(%dma_start3A_22 : memref<5120x1024xf32, #tpu.memory_space<hbm>>) offsets(%arg8 : memref<32xi32, #tpu.memory_space<vmem>>) semaphore(%arg14 : memref<!tpu.dma_semaphore, #tpu.memory_space<semaphore_mem>>)
    %dma_start3A_23 = arith.constant 0 : i32
    %dma_start3A_24 = arith.constant 0 : i32
    %dma_start3A_25 = tpu.memref_slice %arg5[%dma_start3A_23, %dma_start3A_24] : memref<5120x1024xf32, #tpu.memory_space<hbm>> -> memref<5120x1024xf32, #tpu.memory_space<hbm>>
    tpu.enqueue_indirect_dma source(%arg11 : memref<32x1024xf32, #tpu.memory_space<vmem>>) target(%dma_start3A_25 : memref<5120x1024xf32, #tpu.memory_space<hbm>>) offsets(%arg9 : memref<32xi32, #tpu.memory_space<vmem>>) semaphore(%arg15 : memref<!tpu.dma_semaphore, #tpu.memory_space<semaphore_mem>>)
    %dma_wait3A = arith.constant 0 : i32
    %dma_wait3A_26 = arith.constant 0 : i32
    %dma_wait3A_27 = tpu.memref_slice %arg5[%dma_wait3A, %dma_wait3A_26] : memref<5120x1024xf32, #tpu.memory_space<hbm>> -> memref<5120x1024xf32, #tpu.memory_space<hbm>>
    tpu.wait_indirect_dma semaphore(%arg12 : memref<!tpu.dma_semaphore, #tpu.memory_space<semaphore_mem>>) src(%arg10 : memref<32x1024xf32, #tpu.memory_space<vmem>>) dst(%dma_wait3A_27 : memref<5120x1024xf32, #tpu.memory_space<hbm>>)
    %dma_wait3A_28 = arith.constant 0 : i32
    %dma_wait3A_29 = arith.constant 0 : i32
    %dma_wait3A_30 = tpu.memref_slice %arg5[%dma_wait3A_28, %dma_wait3A_29] : memref<5120x1024xf32, #tpu.memory_space<hbm>> -> memref<5120x1024xf32, #tpu.memory_space<hbm>>
    tpu.wait_indirect_dma semaphore(%arg13 : memref<!tpu.dma_semaphore, #tpu.memory_space<semaphore_mem>>) src(%arg10 : memref<32x1024xf32, #tpu.memory_space<vmem>>) dst(%dma_wait3A_30 : memref<5120x1024xf32, #tpu.memory_space<hbm>>)
    %dma_wait3A_31 = arith.constant 0 : i32
    %dma_wait3A_32 = arith.constant 0 : i32
    %dma_wait3A_33 = tpu.memref_slice %arg5[%dma_wait3A_31, %dma_wait3A_32] : memref<5120x1024xf32, #tpu.memory_space<hbm>> -> memref<5120x1024xf32, #tpu.memory_space<hbm>>
    tpu.wait_indirect_dma semaphore(%arg14 : memref<!tpu.dma_semaphore, #tpu.memory_space<semaphore_mem>>) src(%arg11 : memref<32x1024xf32, #tpu.memory_space<vmem>>) dst(%dma_wait3A_33 : memref<5120x1024xf32, #tpu.memory_space<hbm>>)
    %dma_wait3A_34 = arith.constant 0 : i32
    %dma_wait3A_35 = arith.constant 0 : i32
    %dma_wait3A_36 = tpu.memref_slice %arg5[%dma_wait3A_34, %dma_wait3A_35] : memref<5120x1024xf32, #tpu.memory_space<hbm>> -> memref<5120x1024xf32, #tpu.memory_space<hbm>>
    tpu.wait_indirect_dma semaphore(%arg15 : memref<!tpu.dma_semaphore, #tpu.memory_space<semaphore_mem>>) src(%arg11 : memref<32x1024xf32, #tpu.memory_space<vmem>>) dst(%dma_wait3A_36 : memref<5120x1024xf32, #tpu.memory_space<hbm>>)
    return
  }
}

#map = affine_map<(d0, d1) -> (0, 0)>
#map1 = affine_map<(d0, d1) -> (0)>
module attributes {stable_mosaic.version = 14 : i64} {
  func.func @k(%arg0: i32, %arg1: i32, %arg2: memref<5120x128xi32, #tpu.memory_space<hbm>>, %arg3: memref<2048xi32, #tpu.memory_space<hbm>>, %arg4: memref<2048xi32, #tpu.memory_space<hbm>>, %arg5: memref<2048x128xi32, #tpu.memory_space<hbm>>, %arg6: memref<2048x128xi32, #tpu.memory_space<hbm>>, %arg7: memref<64xi32, #tpu.memory_space<vmem>>, %arg8: memref<64xi32, #tpu.memory_space<vmem>>, %arg9: memref<64x128xi32, #tpu.memory_space<vmem>>, %arg10: memref<64x128xi32, #tpu.memory_space<vmem>>, %arg11: memref<!tpu.dma_semaphore, #tpu.memory_space<semaphore_mem>>, %arg12: memref<!tpu.dma_semaphore, #tpu.memory_space<semaphore_mem>>) attributes {dimension_semantics = [#tpu.dimension_semantics<core_parallel>, #tpu.dimension_semantics<subcore_parallel>], iteration_bounds = array<i64: 2, 16>, scalar_prefetch = 0 : i64, scratch_operands = 6 : i64, tpu.core_type = #tpu.core_type<sc_vector_subcore>, window_params = [{transform_indices = #map}, {transform_indices = #map1}, {transform_indices = #map1}, {transform_indices = #map}, {transform_indices = #map}]} {
    %mul3A = arith.constant 2 : i32
    %mul3A_0 = arith.muli %arg1, %mul3A : i32
    %add3A = arith.addi %mul3A_0, %arg0 : i32
    %mul3A_1 = arith.constant 64 : i32
    %mul3A_2 = arith.muli %add3A, %mul3A_1 : i32
    "tpu.region"() ({
      %run_scoped3A = tpu.sem_alloc : memref<!tpu.dma_semaphore, #tpu.memory_space<semaphore_mem>>
      %dma_start3A_13 = tpu.memref_slice %arg3[%mul3A_2] : memref<2048xi32, #tpu.memory_space<hbm>> -> memref<64xi32, #tpu.memory_space<hbm>>
      %dma_start3A_14 = tpu.memref_slice %arg3[%mul3A_2] : memref<2048xi32, #tpu.memory_space<hbm>> -> memref<64xi32, #tpu.memory_space<hbm>>
      tpu.enqueue_dma source(%dma_start3A_14 : memref<64xi32, #tpu.memory_space<hbm>>) target(%arg7 : memref<64xi32, #tpu.memory_space<vmem>>) target_semaphore(%run_scoped3A : memref<!tpu.dma_semaphore, #tpu.memory_space<semaphore_mem>>)
      %dma_wait3A_15 = tpu.memref_slice %arg3[%mul3A_2] : memref<2048xi32, #tpu.memory_space<hbm>> -> memref<64xi32, #tpu.memory_space<hbm>>
      %dma_wait3A_16 = tpu.memref_slice %arg3[%mul3A_2] : memref<2048xi32, #tpu.memory_space<hbm>> -> memref<64xi32, #tpu.memory_space<hbm>>
      tpu.wait_dma2 semaphore(%run_scoped3A : memref<!tpu.dma_semaphore, #tpu.memory_space<semaphore_mem>>) src(%dma_wait3A_16 : memref<64xi32, #tpu.memory_space<hbm>>) dst(%arg7 : memref<64xi32, #tpu.memory_space<vmem>>)
      tpu.yield
    }) : () -> ()
    "tpu.region"() ({
      %run_scoped3A = tpu.sem_alloc : memref<!tpu.dma_semaphore, #tpu.memory_space<semaphore_mem>>
      %dma_start3A_13 = tpu.memref_slice %arg4[%mul3A_2] : memref<2048xi32, #tpu.memory_space<hbm>> -> memref<64xi32, #tpu.memory_space<hbm>>
      %dma_start3A_14 = tpu.memref_slice %arg4[%mul3A_2] : memref<2048xi32, #tpu.memory_space<hbm>> -> memref<64xi32, #tpu.memory_space<hbm>>
      tpu.enqueue_dma source(%dma_start3A_14 : memref<64xi32, #tpu.memory_space<hbm>>) target(%arg8 : memref<64xi32, #tpu.memory_space<vmem>>) target_semaphore(%run_scoped3A : memref<!tpu.dma_semaphore, #tpu.memory_space<semaphore_mem>>)
      %dma_wait3A_15 = tpu.memref_slice %arg4[%mul3A_2] : memref<2048xi32, #tpu.memory_space<hbm>> -> memref<64xi32, #tpu.memory_space<hbm>>
      %dma_wait3A_16 = tpu.memref_slice %arg4[%mul3A_2] : memref<2048xi32, #tpu.memory_space<hbm>> -> memref<64xi32, #tpu.memory_space<hbm>>
      tpu.wait_dma2 semaphore(%run_scoped3A : memref<!tpu.dma_semaphore, #tpu.memory_space<semaphore_mem>>) src(%dma_wait3A_16 : memref<64xi32, #tpu.memory_space<hbm>>) dst(%arg8 : memref<64xi32, #tpu.memory_space<vmem>>)
      tpu.yield
    }) : () -> ()
    %dma_start3A = arith.constant 0 : i32
    %dma_start3A_3 = arith.constant 0 : i32
    %dma_start3A_4 = tpu.memref_slice %arg2[%dma_start3A, %dma_start3A_3] : memref<5120x128xi32, #tpu.memory_space<hbm>> -> memref<5120x128xi32, #tpu.memory_space<hbm>>
    tpu.enqueue_indirect_dma source(%dma_start3A_4 : memref<5120x128xi32, #tpu.memory_space<hbm>>) target(%arg9 : memref<64x128xi32, #tpu.memory_space<vmem>>) offsets(%arg7 : memref<64xi32, #tpu.memory_space<vmem>>) semaphore(%arg11 : memref<!tpu.dma_semaphore, #tpu.memory_space<semaphore_mem>>)
    %dma_start3A_5 = arith.constant 0 : i32
    %dma_start3A_6 = arith.constant 0 : i32
    %dma_start3A_7 = tpu.memref_slice %arg2[%dma_start3A_5, %dma_start3A_6] : memref<5120x128xi32, #tpu.memory_space<hbm>> -> memref<5120x128xi32, #tpu.memory_space<hbm>>
    tpu.enqueue_indirect_dma source(%dma_start3A_7 : memref<5120x128xi32, #tpu.memory_space<hbm>>) target(%arg10 : memref<64x128xi32, #tpu.memory_space<vmem>>) offsets(%arg8 : memref<64xi32, #tpu.memory_space<vmem>>) semaphore(%arg12 : memref<!tpu.dma_semaphore, #tpu.memory_space<semaphore_mem>>)
    %dma_wait3A = arith.constant 0 : i32
    %dma_wait3A_8 = arith.constant 0 : i32
    %dma_wait3A_9 = tpu.memref_slice %arg2[%dma_wait3A, %dma_wait3A_8] : memref<5120x128xi32, #tpu.memory_space<hbm>> -> memref<5120x128xi32, #tpu.memory_space<hbm>>
    tpu.wait_indirect_dma semaphore(%arg11 : memref<!tpu.dma_semaphore, #tpu.memory_space<semaphore_mem>>) src(%dma_wait3A_9 : memref<5120x128xi32, #tpu.memory_space<hbm>>) dst(%arg9 : memref<64x128xi32, #tpu.memory_space<vmem>>)
    "tpu.region"() ({
      %run_scoped3A = tpu.sem_alloc : memref<!tpu.dma_semaphore, #tpu.memory_space<semaphore_mem>>
      %dma_start3A_13 = arith.constant 0 : i32
      %dma_start3A_14 = tpu.memref_slice %arg5[%mul3A_2, %dma_start3A_13] : memref<2048x128xi32, #tpu.memory_space<hbm>> -> memref<64x128xi32, #tpu.memory_space<hbm>>
      %dma_start3A_15 = arith.constant 0 : i32
      %dma_start3A_16 = tpu.memref_slice %arg5[%mul3A_2, %dma_start3A_15] : memref<2048x128xi32, #tpu.memory_space<hbm>> -> memref<64x128xi32, #tpu.memory_space<hbm>>
      tpu.enqueue_dma source(%arg9 : memref<64x128xi32, #tpu.memory_space<vmem>>) target(%dma_start3A_16 : memref<64x128xi32, #tpu.memory_space<hbm>>) target_semaphore(%run_scoped3A : memref<!tpu.dma_semaphore, #tpu.memory_space<semaphore_mem>>)
      %dma_wait3A_17 = arith.constant 0 : i32
      %dma_wait3A_18 = tpu.memref_slice %arg5[%mul3A_2, %dma_wait3A_17] : memref<2048x128xi32, #tpu.memory_space<hbm>> -> memref<64x128xi32, #tpu.memory_space<hbm>>
      %dma_wait3A_19 = arith.constant 0 : i32
      %dma_wait3A_20 = tpu.memref_slice %arg5[%mul3A_2, %dma_wait3A_19] : memref<2048x128xi32, #tpu.memory_space<hbm>> -> memref<64x128xi32, #tpu.memory_space<hbm>>
      tpu.wait_dma2 semaphore(%run_scoped3A : memref<!tpu.dma_semaphore, #tpu.memory_space<semaphore_mem>>) src(%arg9 : memref<64x128xi32, #tpu.memory_space<vmem>>) dst(%dma_wait3A_20 : memref<64x128xi32, #tpu.memory_space<hbm>>)
      tpu.yield
    }) : () -> ()
    %dma_wait3A_10 = arith.constant 0 : i32
    %dma_wait3A_11 = arith.constant 0 : i32
    %dma_wait3A_12 = tpu.memref_slice %arg2[%dma_wait3A_10, %dma_wait3A_11] : memref<5120x128xi32, #tpu.memory_space<hbm>> -> memref<5120x128xi32, #tpu.memory_space<hbm>>
    tpu.wait_indirect_dma semaphore(%arg12 : memref<!tpu.dma_semaphore, #tpu.memory_space<semaphore_mem>>) src(%dma_wait3A_12 : memref<5120x128xi32, #tpu.memory_space<hbm>>) dst(%arg10 : memref<64x128xi32, #tpu.memory_space<vmem>>)
    "tpu.region"() ({
      %run_scoped3A = tpu.sem_alloc : memref<!tpu.dma_semaphore, #tpu.memory_space<semaphore_mem>>
      %dma_start3A_13 = arith.constant 0 : i32
      %dma_start3A_14 = tpu.memref_slice %arg6[%mul3A_2, %dma_start3A_13] : memref<2048x128xi32, #tpu.memory_space<hbm>> -> memref<64x128xi32, #tpu.memory_space<hbm>>
      %dma_start3A_15 = arith.constant 0 : i32
      %dma_start3A_16 = tpu.memref_slice %arg6[%mul3A_2, %dma_start3A_15] : memref<2048x128xi32, #tpu.memory_space<hbm>> -> memref<64x128xi32, #tpu.memory_space<hbm>>
      tpu.enqueue_dma source(%arg10 : memref<64x128xi32, #tpu.memory_space<vmem>>) target(%dma_start3A_16 : memref<64x128xi32, #tpu.memory_space<hbm>>) target_semaphore(%run_scoped3A : memref<!tpu.dma_semaphore, #tpu.memory_space<semaphore_mem>>)
      %dma_wait3A_17 = arith.constant 0 : i32
      %dma_wait3A_18 = tpu.memref_slice %arg6[%mul3A_2, %dma_wait3A_17] : memref<2048x128xi32, #tpu.memory_space<hbm>> -> memref<64x128xi32, #tpu.memory_space<hbm>>
      %dma_wait3A_19 = arith.constant 0 : i32
      %dma_wait3A_20 = tpu.memref_slice %arg6[%mul3A_2, %dma_wait3A_19] : memref<2048x128xi32, #tpu.memory_space<hbm>> -> memref<64x128xi32, #tpu.memory_space<hbm>>
      tpu.wait_dma2 semaphore(%run_scoped3A : memref<!tpu.dma_semaphore, #tpu.memory_space<semaphore_mem>>) src(%arg10 : memref<64x128xi32, #tpu.memory_space<vmem>>) dst(%dma_wait3A_20 : memref<64x128xi32, #tpu.memory_space<hbm>>)
      tpu.yield
    }) : () -> ()
    return
  }
}

module attributes {stable_mosaic.version = 14 : i64} {
  func.func @_router_body(%arg0: memref<2048x1024xf32, #tpu.memory_space<vmem>>, %arg1: memref<8x1024xf32, #tpu.memory_space<vmem>>, %arg2: memref<2048x8xf32, #tpu.memory_space<vmem>>, %arg3: memref<2048x2xi32, #tpu.memory_space<vmem>>, %arg4: memref<1x40xi32, #tpu.memory_space<vmem>>) attributes {dimension_semantics = [], scalar_prefetch = 0 : i64, scratch_operands = 0 : i64, tpu.core_type = #tpu.core_type<tc>} {
    %get3A = arith.constant 0 : index
    %get3A_0 = arith.constant 0 : index
    %get3A_1 = vector.load %arg0[%get3A, %get3A_0] : memref<2048x1024xf32, #tpu.memory_space<vmem>>, vector<2048x1024xf32>
    %get3A_2 = arith.constant 0 : index
    %get3A_3 = arith.constant 0 : index
    %get3A_4 = vector.load %arg1[%get3A_2, %get3A_3] : memref<8x1024xf32, #tpu.memory_space<vmem>>, vector<8x1024xf32>
    %dot_general3A = arith.constant dense<0.000000e+00> : vector<2048x8xf32>
    %dot_general3A_5 = tpu.matmul %get3A_1, %get3A_4, %dot_general3A {dimension_numbers = #tpu.dot_dimension_numbers<[1], [1], [0], [0], [0, 0, 1, 0], [], []>, transpose_lhs_hint = false} : vector<2048x1024xf32>, vector<8x1024xf32>, vector<2048x8xf32> -> vector<2048x8xf32>
    %reduce_max3A = arith.constant dense<0xFF800000> : vector<2048xf32>
    %reduce_max3A_6 = vector.multi_reduction <maximumf>, %dot_general3A_5, %reduce_max3A [1] : vector<2048x8xf32> to vector<2048xf32>
    %broadcast_in_dim3A = vector.shape_cast %reduce_max3A_6 : vector<2048xf32> to vector<2048x1xf32>
    %sub3A = vector.broadcast %broadcast_in_dim3A : vector<2048x1xf32> to vector<2048x8xf32>
    %sub3A_7 = arith.subf %dot_general3A_5, %sub3A : vector<2048x8xf32>
    %exp3A = math.exp %sub3A_7 : vector<2048x8xf32>
    %reduce_sum3A = arith.constant dense<0.000000e+00> : vector<2048xf32>
    %reduce_sum3A_8 = vector.multi_reduction <add>, %exp3A, %reduce_sum3A [1] : vector<2048x8xf32> to vector<2048xf32>
    %broadcast_in_dim3A_9 = vector.shape_cast %reduce_sum3A_8 : vector<2048xf32> to vector<2048x1xf32>
    %div3A = vector.broadcast %broadcast_in_dim3A_9 : vector<2048x1xf32> to vector<2048x8xf32>
    %div3A_10 = arith.divf %exp3A, %div3A : vector<2048x8xf32>
    %iota3A = tpu.iota {dimensions = array<i32: 1>} : vector<2048x8xi32>
    %reduce_max3A_11 = arith.constant dense<0xFF800000> : vector<2048xf32>
    %reduce_max3A_12 = vector.multi_reduction <maximumf>, %div3A_10, %reduce_max3A_11 [1] : vector<2048x8xf32> to vector<2048xf32>
    %broadcast_in_dim3A_13 = vector.shape_cast %reduce_max3A_12 : vector<2048xf32> to vector<2048x1xf32>
    %eq3A = vector.broadcast %broadcast_in_dim3A_13 : vector<2048x1xf32> to vector<2048x8xf32>
    %eq3A_14 = arith.cmpf oeq, %div3A_10, %eq3A : vector<2048x8xf32>
    %jit3A = arith.constant 8 : i32
    %broadcast_in_dim3A_15 = vector.broadcast %jit3A : i32 to vector<2048x8xi32>
    %select_n3A = arith.select %eq3A_14, %iota3A, %broadcast_in_dim3A_15 : vector<2048x8xi1>, vector<2048x8xi32>
    %reduce_min3A = arith.constant dense<2147483647> : vector<2048xi32>
    %reduce_min3A_16 = vector.multi_reduction <minsi>, %select_n3A, %reduce_min3A [1] : vector<2048x8xi32> to vector<2048xi32>
    %broadcast_in_dim3A_17 = vector.shape_cast %reduce_min3A_16 : vector<2048xi32> to vector<2048x1xi32>
    %eq3A_18 = vector.broadcast %broadcast_in_dim3A_17 : vector<2048x1xi32> to vector<2048x8xi32>
    %eq3A_19 = arith.cmpi eq, %iota3A, %eq3A_18 : vector<2048x8xi32>
    %jit3A_20 = arith.constant -1.000000e+00 : f32
    %broadcast_in_dim3A_21 = vector.broadcast %jit3A_20 : f32 to vector<2048x8xf32>
    %select_n3A_22 = arith.select %eq3A_19, %broadcast_in_dim3A_21, %div3A_10 : vector<2048x8xi1>, vector<2048x8xf32>
    %reduce_max3A_23 = arith.constant dense<0xFF800000> : vector<2048xf32>
    %reduce_max3A_24 = vector.multi_reduction <maximumf>, %select_n3A_22, %reduce_max3A_23 [1] : vector<2048x8xf32> to vector<2048xf32>
    %broadcast_in_dim3A_25 = vector.shape_cast %reduce_max3A_24 : vector<2048xf32> to vector<2048x1xf32>
    %eq3A_26 = vector.broadcast %broadcast_in_dim3A_25 : vector<2048x1xf32> to vector<2048x8xf32>
    %eq3A_27 = arith.cmpf oeq, %select_n3A_22, %eq3A_26 : vector<2048x8xf32>
    %jit3A_28 = arith.constant 8 : i32
    %broadcast_in_dim3A_29 = vector.broadcast %jit3A_28 : i32 to vector<2048x8xi32>
    %select_n3A_30 = arith.select %eq3A_27, %iota3A, %broadcast_in_dim3A_29 : vector<2048x8xi1>, vector<2048x8xi32>
    %reduce_min3A_31 = arith.constant dense<2147483647> : vector<2048xi32>
    %reduce_min3A_32 = vector.multi_reduction <minsi>, %select_n3A_30, %reduce_min3A_31 [1] : vector<2048x8xi32> to vector<2048xi32>
    %broadcast_in_dim3A_33 = vector.shape_cast %reduce_min3A_32 : vector<2048xi32> to vector<2048x1xi32>
    %add3A = arith.addf %broadcast_in_dim3A_13, %broadcast_in_dim3A_25 : vector<2048x1xf32>
    %eq3A_34 = arith.constant 0 : i32
    %eq3A_35 = vector.broadcast %eq3A_34 : i32 to vector<2048x8xi32>
    %eq3A_36 = arith.cmpi eq, %iota3A, %eq3A_35 : vector<2048x8xi32>
    %div3A_37 = arith.divf %broadcast_in_dim3A_13, %add3A : vector<2048x1xf32>
    %eq3A_38 = arith.constant 1 : i32
    %eq3A_39 = vector.broadcast %eq3A_38 : i32 to vector<2048x8xi32>
    %eq3A_40 = arith.cmpi eq, %iota3A, %eq3A_39 : vector<2048x8xi32>
    %div3A_41 = arith.divf %broadcast_in_dim3A_25, %add3A : vector<2048x1xf32>
    %jit3A_42 = arith.constant 0.000000e+00 : f32
    %broadcast_in_dim3A_43 = vector.shape_cast %div3A_41 : vector<2048x1xf32> to vector<2048x1xf32>
    %broadcast_in_dim3A_44 = vector.broadcast %broadcast_in_dim3A_43 : vector<2048x1xf32> to vector<2048x8xf32>
    %broadcast_in_dim3A_45 = vector.broadcast %jit3A_42 : f32 to vector<2048x8xf32>
    %select_n3A_46 = arith.select %eq3A_40, %broadcast_in_dim3A_44, %broadcast_in_dim3A_45 : vector<2048x8xi1>, vector<2048x8xf32>
    %broadcast_in_dim3A_47 = vector.shape_cast %div3A_37 : vector<2048x1xf32> to vector<2048x1xf32>
    %broadcast_in_dim3A_48 = vector.broadcast %broadcast_in_dim3A_47 : vector<2048x1xf32> to vector<2048x8xf32>
    %select_n3A_49 = arith.select %eq3A_36, %broadcast_in_dim3A_48, %select_n3A_46 : vector<2048x8xi1>, vector<2048x8xf32>
    %swap3A = arith.constant 0 : index
    %swap3A_50 = arith.constant 0 : index
    %swap3A_51 = vector.load %arg2[%swap3A, %swap3A_50] : memref<2048x8xf32, #tpu.memory_space<vmem>>, vector<2048x8xf32>
    tpu.vector_store %arg2[%swap3A, %swap3A_50], %select_n3A_49 {strides = array<i32>} : memref<2048x8xf32, #tpu.memory_space<vmem>>, vector<2048x8xf32>,
    %eq3A_52 = vector.broadcast %broadcast_in_dim3A_17 : vector<2048x1xi32> to vector<2048x8xi32>
    %eq3A_53 = arith.cmpi eq, %eq3A_52, %iota3A : vector<2048x8xi32>
    %convert_element_type3A = arith.extui %eq3A_53 : vector<2048x8xi1> to vector<2048x8xi32>
    %convert_element_type3A_54 = arith.sitofp %convert_element_type3A : vector<2048x8xi32> to vector<2048x8xf32>
    %eq3A_55 = vector.broadcast %broadcast_in_dim3A_33 : vector<2048x1xi32> to vector<2048x8xi32>
    %eq3A_56 = arith.cmpi eq, %eq3A_55, %iota3A : vector<2048x8xi32>
    %convert_element_type3A_57 = arith.extui %eq3A_56 : vector<2048x8xi1> to vector<2048x8xi32>
    %convert_element_type3A_58 = arith.sitofp %convert_element_type3A_57 : vector<2048x8xi32> to vector<2048x8xf32>
    %add3A_59 = arith.addf %convert_element_type3A_54, %convert_element_type3A_58 : vector<2048x8xf32>
    %reduce_sum3A_60 = arith.constant dense<0.000000e+00> : vector<8xf32>
    %reduce_sum3A_61 = vector.multi_reduction <add>, %add3A_59, %reduce_sum3A_60 [0] : vector<2048x8xf32> to vector<8xf32>
    %broadcast_in_dim3A_62 = vector.shape_cast %reduce_sum3A_61 : vector<8xf32> to vector<1x8xf32>
    %div3A_63 = arith.constant 1.280000e+02 : f32
    %div3A_64 = vector.broadcast %div3A_63 : f32 to vector<1x8xf32>
    %div3A_65 = arith.divf %broadcast_in_dim3A_62, %div3A_64 : vector<1x8xf32>
    %ceil3A = math.ceil %div3A_65 : vector<1x8xf32>
    %mul3A = arith.constant 1.280000e+02 : f32
    %mul3A_66 = vector.broadcast %mul3A : f32 to vector<1x8xf32>
    %mul3A_67 = arith.mulf %ceil3A, %mul3A_66 : vector<1x8xf32>
    %broadcast_in_dim3A_68 = arith.constant 0.000000e+00 : f32
    %broadcast_in_dim3A_69 = vector.broadcast %broadcast_in_dim3A_68 : f32 to vector<1x8xf32>
    %slice3A = vector.extract_strided_slice %iota3A {offsets = [0, 0], sizes = [1, 8], strides = [1, 1]} : vector<2048x8xi32> to vector<1x8xi32>
    %gt3A = arith.constant 0 : i32
    %gt3A_70 = vector.broadcast %gt3A : i32 to vector<1x8xi32>
    %gt3A_71 = arith.cmpi sgt, %slice3A, %gt3A_70 : vector<1x8xi32>
    %slice3A_72 = vector.extract_strided_slice %mul3A_67 {offsets = [0, 0], sizes = [1, 1], strides = [1, 1]} : vector<1x8xf32> to vector<1x1xf32>
    %jit3A_73 = arith.constant 0.000000e+00 : f32
    %broadcast_in_dim3A_74 = vector.shape_cast %slice3A_72 : vector<1x1xf32> to vector<1x1xf32>
    %broadcast_in_dim3A_75 = vector.broadcast %broadcast_in_dim3A_74 : vector<1x1xf32> to vector<1x8xf32>
    %broadcast_in_dim3A_76 = vector.broadcast %jit3A_73 : f32 to vector<1x8xf32>
    %select_n3A_77 = arith.select %gt3A_71, %broadcast_in_dim3A_75, %broadcast_in_dim3A_76 : vector<1x8xi1>, vector<1x8xf32>
    %add3A_78 = arith.addf %broadcast_in_dim3A_69, %select_n3A_77 : vector<1x8xf32>
    %slice3A_79 = vector.extract_strided_slice %iota3A {offsets = [0, 0], sizes = [1, 8], strides = [1, 1]} : vector<2048x8xi32> to vector<1x8xi32>
    %gt3A_80 = arith.constant 1 : i32
    %gt3A_81 = vector.broadcast %gt3A_80 : i32 to vector<1x8xi32>
    %gt3A_82 = arith.cmpi sgt, %slice3A_79, %gt3A_81 : vector<1x8xi32>
    %slice3A_83 = vector.extract_strided_slice %mul3A_67 {offsets = [0, 1], sizes = [1, 1], strides = [1, 1]} : vector<1x8xf32> to vector<1x1xf32>
    %jit3A_84 = arith.constant 0.000000e+00 : f32
    %broadcast_in_dim3A_85 = vector.shape_cast %slice3A_83 : vector<1x1xf32> to vector<1x1xf32>
    %broadcast_in_dim3A_86 = vector.broadcast %broadcast_in_dim3A_85 : vector<1x1xf32> to vector<1x8xf32>
    %broadcast_in_dim3A_87 = vector.broadcast %jit3A_84 : f32 to vector<1x8xf32>
    %select_n3A_88 = arith.select %gt3A_82, %broadcast_in_dim3A_86, %broadcast_in_dim3A_87 : vector<1x8xi1>, vector<1x8xf32>
    %add3A_89 = arith.addf %add3A_78, %select_n3A_88 : vector<1x8xf32>
    %slice3A_90 = vector.extract_strided_slice %iota3A {offsets = [0, 0], sizes = [1, 8], strides = [1, 1]} : vector<2048x8xi32> to vector<1x8xi32>
    %gt3A_91 = arith.constant 2 : i32
    %gt3A_92 = vector.broadcast %gt3A_91 : i32 to vector<1x8xi32>
    %gt3A_93 = arith.cmpi sgt, %slice3A_90, %gt3A_92 : vector<1x8xi32>
    %slice3A_94 = vector.extract_strided_slice %mul3A_67 {offsets = [0, 2], sizes = [1, 1], strides = [1, 1]} : vector<1x8xf32> to vector<1x1xf32>
    %jit3A_95 = arith.constant 0.000000e+00 : f32
    %broadcast_in_dim3A_96 = vector.shape_cast %slice3A_94 : vector<1x1xf32> to vector<1x1xf32>
    %broadcast_in_dim3A_97 = vector.broadcast %broadcast_in_dim3A_96 : vector<1x1xf32> to vector<1x8xf32>
    %broadcast_in_dim3A_98 = vector.broadcast %jit3A_95 : f32 to vector<1x8xf32>
    %select_n3A_99 = arith.select %gt3A_93, %broadcast_in_dim3A_97, %broadcast_in_dim3A_98 : vector<1x8xi1>, vector<1x8xf32>
    %add3A_100 = arith.addf %add3A_89, %select_n3A_99 : vector<1x8xf32>
    %slice3A_101 = vector.extract_strided_slice %iota3A {offsets = [0, 0], sizes = [1, 8], strides = [1, 1]} : vector<2048x8xi32> to vector<1x8xi32>
    %gt3A_102 = arith.constant 3 : i32
    %gt3A_103 = vector.broadcast %gt3A_102 : i32 to vector<1x8xi32>
    %gt3A_104 = arith.cmpi sgt, %slice3A_101, %gt3A_103 : vector<1x8xi32>
    %slice3A_105 = vector.extract_strided_slice %mul3A_67 {offsets = [0, 3], sizes = [1, 1], strides = [1, 1]} : vector<1x8xf32> to vector<1x1xf32>
    %jit3A_106 = arith.constant 0.000000e+00 : f32
    %broadcast_in_dim3A_107 = vector.shape_cast %slice3A_105 : vector<1x1xf32> to vector<1x1xf32>
    %broadcast_in_dim3A_108 = vector.broadcast %broadcast_in_dim3A_107 : vector<1x1xf32> to vector<1x8xf32>
    %broadcast_in_dim3A_109 = vector.broadcast %jit3A_106 : f32 to vector<1x8xf32>
    %select_n3A_110 = arith.select %gt3A_104, %broadcast_in_dim3A_108, %broadcast_in_dim3A_109 : vector<1x8xi1>, vector<1x8xf32>
    %add3A_111 = arith.addf %add3A_100, %select_n3A_110 : vector<1x8xf32>
    %slice3A_112 = vector.extract_strided_slice %iota3A {offsets = [0, 0], sizes = [1, 8], strides = [1, 1]} : vector<2048x8xi32> to vector<1x8xi32>
    %gt3A_113 = arith.constant 4 : i32
    %gt3A_114 = vector.broadcast %gt3A_113 : i32 to vector<1x8xi32>
    %gt3A_115 = arith.cmpi sgt, %slice3A_112, %gt3A_114 : vector<1x8xi32>
    %slice3A_116 = vector.extract_strided_slice %mul3A_67 {offsets = [0, 4], sizes = [1, 1], strides = [1, 1]} : vector<1x8xf32> to vector<1x1xf32>
    %jit3A_117 = arith.constant 0.000000e+00 : f32
    %broadcast_in_dim3A_118 = vector.shape_cast %slice3A_116 : vector<1x1xf32> to vector<1x1xf32>
    %broadcast_in_dim3A_119 = vector.broadcast %broadcast_in_dim3A_118 : vector<1x1xf32> to vector<1x8xf32>
    %broadcast_in_dim3A_120 = vector.broadcast %jit3A_117 : f32 to vector<1x8xf32>
    %select_n3A_121 = arith.select %gt3A_115, %broadcast_in_dim3A_119, %broadcast_in_dim3A_120 : vector<1x8xi1>, vector<1x8xf32>
    %add3A_122 = arith.addf %add3A_111, %select_n3A_121 : vector<1x8xf32>
    %slice3A_123 = vector.extract_strided_slice %iota3A {offsets = [0, 0], sizes = [1, 8], strides = [1, 1]} : vector<2048x8xi32> to vector<1x8xi32>
    %gt3A_124 = arith.constant 5 : i32
    %gt3A_125 = vector.broadcast %gt3A_124 : i32 to vector<1x8xi32>
    %gt3A_126 = arith.cmpi sgt, %slice3A_123, %gt3A_125 : vector<1x8xi32>
    %slice3A_127 = vector.extract_strided_slice %mul3A_67 {offsets = [0, 5], sizes = [1, 1], strides = [1, 1]} : vector<1x8xf32> to vector<1x1xf32>
    %jit3A_128 = arith.constant 0.000000e+00 : f32
    %broadcast_in_dim3A_129 = vector.shape_cast %slice3A_127 : vector<1x1xf32> to vector<1x1xf32>
    %broadcast_in_dim3A_130 = vector.broadcast %broadcast_in_dim3A_129 : vector<1x1xf32> to vector<1x8xf32>
    %broadcast_in_dim3A_131 = vector.broadcast %jit3A_128 : f32 to vector<1x8xf32>
    %select_n3A_132 = arith.select %gt3A_126, %broadcast_in_dim3A_130, %broadcast_in_dim3A_131 : vector<1x8xi1>, vector<1x8xf32>
    %add3A_133 = arith.addf %add3A_122, %select_n3A_132 : vector<1x8xf32>
    %slice3A_134 = vector.extract_strided_slice %iota3A {offsets = [0, 0], sizes = [1, 8], strides = [1, 1]} : vector<2048x8xi32> to vector<1x8xi32>
    %gt3A_135 = arith.constant 6 : i32
    %gt3A_136 = vector.broadcast %gt3A_135 : i32 to vector<1x8xi32>
    %gt3A_137 = arith.cmpi sgt, %slice3A_134, %gt3A_136 : vector<1x8xi32>
    %slice3A_138 = vector.extract_strided_slice %mul3A_67 {offsets = [0, 6], sizes = [1, 1], strides = [1, 1]} : vector<1x8xf32> to vector<1x1xf32>
    %jit3A_139 = arith.constant 0.000000e+00 : f32
    %broadcast_in_dim3A_140 = vector.shape_cast %slice3A_138 : vector<1x1xf32> to vector<1x1xf32>
    %broadcast_in_dim3A_141 = vector.broadcast %broadcast_in_dim3A_140 : vector<1x1xf32> to vector<1x8xf32>
    %broadcast_in_dim3A_142 = vector.broadcast %jit3A_139 : f32 to vector<1x8xf32>
    %select_n3A_143 = arith.select %gt3A_137, %broadcast_in_dim3A_141, %broadcast_in_dim3A_142 : vector<1x8xi1>, vector<1x8xf32>
    %add3A_144 = arith.addf %add3A_133, %select_n3A_143 : vector<1x8xf32>
    %iota3A_145 = tpu.iota {dimensions = array<i32: 0>} : vector<512x512xi32>
    %iota3A_146 = tpu.iota {dimensions = array<i32: 1>} : vector<512x512xi32>
    %lt3A = arith.cmpi slt, %iota3A_146, %iota3A_145 : vector<512x512xi32>
    %convert_element_type3A_147 = arith.extui %lt3A : vector<512x512xi1> to vector<512x512xi32>
    %convert_element_type3A_148 = arith.sitofp %convert_element_type3A_147 : vector<512x512xi32> to vector<512x512xf32>
    %broadcast_in_dim3A_149 = arith.constant 0.000000e+00 : f32
    %broadcast_in_dim3A_150 = vector.broadcast %broadcast_in_dim3A_149 : f32 to vector<1x8xf32>
    %slice3A_151 = vector.extract_strided_slice %add3A_59 {offsets = [0, 0], sizes = [512, 8], strides = [1, 1]} : vector<2048x8xf32> to vector<512x8xf32>
    %dot_general3A_152 = arith.constant dense<0.000000e+00> : vector<512x8xf32>
    %dot_general3A_153 = tpu.matmul %convert_element_type3A_148, %slice3A_151, %dot_general3A_152 {dimension_numbers = #tpu.dot_dimension_numbers<[1], [0], [0], [1], [0, 0, 1, 1], [], []>, transpose_lhs_hint = false} : vector<512x512xf32>, vector<512x8xf32>, vector<512x8xf32> -> vector<512x8xf32>
    %add3A_154 = vector.broadcast %broadcast_in_dim3A_150 : vector<1x8xf32> to vector<512x8xf32>
    %add3A_155 = arith.addf %dot_general3A_153, %add3A_154 : vector<512x8xf32>
    %reduce_sum3A_156 = arith.constant dense<0.000000e+00> : vector<8xf32>
    %reduce_sum3A_157 = vector.multi_reduction <add>, %slice3A_151, %reduce_sum3A_156 [0] : vector<512x8xf32> to vector<8xf32>
    %broadcast_in_dim3A_158 = vector.shape_cast %reduce_sum3A_157 : vector<8xf32> to vector<1x8xf32>
    %add3A_159 = arith.addf %broadcast_in_dim3A_150, %broadcast_in_dim3A_158 : vector<1x8xf32>
    %slice3A_160 = vector.extract_strided_slice %broadcast_in_dim3A_17 {offsets = [0, 0], sizes = [512, 1], strides = [1, 1]} : vector<2048x1xi32> to vector<512x1xi32>
    %slice3A_161 = vector.extract_strided_slice %broadcast_in_dim3A_33 {offsets = [0, 0], sizes = [512, 1], strides = [1, 1]} : vector<2048x1xi32> to vector<512x1xi32>
    %add3A_162 = vector.broadcast %add3A_144 : vector<1x8xf32> to vector<512x8xf32>
    %add3A_163 = arith.addf %add3A_162, %add3A_155 : vector<512x8xf32>
    %slice3A_164 = vector.extract_strided_slice %iota3A {offsets = [0, 0], sizes = [512, 8], strides = [1, 1]} : vector<2048x8xi32> to vector<512x8xi32>
    %eq3A_165 = vector.broadcast %slice3A_160 : vector<512x1xi32> to vector<512x8xi32>
    %eq3A_166 = arith.cmpi eq, %eq3A_165, %slice3A_164 : vector<512x8xi32>
    %jit3A_167 = arith.constant 0.000000e+00 : f32
    %broadcast_in_dim3A_168 = vector.broadcast %jit3A_167 : f32 to vector<512x8xf32>
    %select_n3A_169 = arith.select %eq3A_166, %add3A_163, %broadcast_in_dim3A_168 : vector<512x8xi1>, vector<512x8xf32>
    %reduce_sum3A_170 = arith.constant dense<0.000000e+00> : vector<512xf32>
    %reduce_sum3A_171 = vector.multi_reduction <add>, %select_n3A_169, %reduce_sum3A_170 [1] : vector<512x8xf32> to vector<512xf32>
    %broadcast_in_dim3A_172 = vector.shape_cast %reduce_sum3A_171 : vector<512xf32> to vector<512x1xf32>
    %eq3A_173 = vector.broadcast %slice3A_161 : vector<512x1xi32> to vector<512x8xi32>
    %eq3A_174 = arith.cmpi eq, %eq3A_173, %slice3A_164 : vector<512x8xi32>
    %jit3A_175 = arith.constant 0.000000e+00 : f32
    %broadcast_in_dim3A_176 = vector.broadcast %jit3A_175 : f32 to vector<512x8xf32>
    %select_n3A_177 = arith.select %eq3A_174, %add3A_163, %broadcast_in_dim3A_176 : vector<512x8xi1>, vector<512x8xf32>
    %reduce_sum3A_178 = arith.constant dense<0.000000e+00> : vector<512xf32>
    %reduce_sum3A_179 = vector.multi_reduction <add>, %select_n3A_177, %reduce_sum3A_178 [1] : vector<512x8xf32> to vector<512xf32>
    %broadcast_in_dim3A_180 = vector.shape_cast %reduce_sum3A_179 : vector<512xf32> to vector<512x1xf32>
    %convert_element_type3A_181 = arith.fptosi %broadcast_in_dim3A_172 : vector<512x1xf32> to vector<512x1xi32>
    %convert_element_type3A_182 = arith.fptosi %broadcast_in_dim3A_180 : vector<512x1xf32> to vector<512x1xi32>
    %concatenate3A = tpu.concatenate %convert_element_type3A_181, %convert_element_type3A_182 in 1 : vector<512x1xi32>, vector<512x1xi32> -> vector<512x2xi32>
    %swap3A_183 = arith.constant 0 : index
    %swap3A_184 = arith.constant 0 : index
    %swap3A_185 = vector.load %arg3[%swap3A_183, %swap3A_184] : memref<2048x2xi32, #tpu.memory_space<vmem>>, vector<512x2xi32>
    tpu.vector_store %arg3[%swap3A_183, %swap3A_184], %concatenate3A {strides = array<i32>} : memref<2048x2xi32, #tpu.memory_space<vmem>>, vector<512x2xi32>,
    %slice3A_186 = vector.extract_strided_slice %add3A_59 {offsets = [512, 0], sizes = [512, 8], strides = [1, 1]} : vector<2048x8xf32> to vector<512x8xf32>
    %dot_general3A_187 = arith.constant dense<0.000000e+00> : vector<512x8xf32>
    %dot_general3A_188 = tpu.matmul %convert_element_type3A_148, %slice3A_186, %dot_general3A_187 {dimension_numbers = #tpu.dot_dimension_numbers<[1], [0], [0], [1], [0, 0, 1, 1], [], []>, transpose_lhs_hint = false} : vector<512x512xf32>, vector<512x8xf32>, vector<512x8xf32> -> vector<512x8xf32>
    %add3A_189 = vector.broadcast %add3A_159 : vector<1x8xf32> to vector<512x8xf32>
    %add3A_190 = arith.addf %dot_general3A_188, %add3A_189 : vector<512x8xf32>
    %reduce_sum3A_191 = arith.constant dense<0.000000e+00> : vector<8xf32>
    %reduce_sum3A_192 = vector.multi_reduction <add>, %slice3A_186, %reduce_sum3A_191 [0] : vector<512x8xf32> to vector<8xf32>
    %broadcast_in_dim3A_193 = vector.shape_cast %reduce_sum3A_192 : vector<8xf32> to vector<1x8xf32>
    %add3A_194 = arith.addf %add3A_159, %broadcast_in_dim3A_193 : vector<1x8xf32>
    %slice3A_195 = vector.extract_strided_slice %broadcast_in_dim3A_17 {offsets = [512, 0], sizes = [512, 1], strides = [1, 1]} : vector<2048x1xi32> to vector<512x1xi32>
    %slice3A_196 = vector.extract_strided_slice %broadcast_in_dim3A_33 {offsets = [512, 0], sizes = [512, 1], strides = [1, 1]} : vector<2048x1xi32> to vector<512x1xi32>
    %add3A_197 = vector.broadcast %add3A_144 : vector<1x8xf32> to vector<512x8xf32>
    %add3A_198 = arith.addf %add3A_197, %add3A_190 : vector<512x8xf32>
    %slice3A_199 = vector.extract_strided_slice %iota3A {offsets = [0, 0], sizes = [512, 8], strides = [1, 1]} : vector<2048x8xi32> to vector<512x8xi32>
    %eq3A_200 = vector.broadcast %slice3A_195 : vector<512x1xi32> to vector<512x8xi32>
    %eq3A_201 = arith.cmpi eq, %eq3A_200, %slice3A_199 : vector<512x8xi32>
    %jit3A_202 = arith.constant 0.000000e+00 : f32
    %broadcast_in_dim3A_203 = vector.broadcast %jit3A_202 : f32 to vector<512x8xf32>
    %select_n3A_204 = arith.select %eq3A_201, %add3A_198, %broadcast_in_dim3A_203 : vector<512x8xi1>, vector<512x8xf32>
    %reduce_sum3A_205 = arith.constant dense<0.000000e+00> : vector<512xf32>
    %reduce_sum3A_206 = vector.multi_reduction <add>, %select_n3A_204, %reduce_sum3A_205 [1] : vector<512x8xf32> to vector<512xf32>
    %broadcast_in_dim3A_207 = vector.shape_cast %reduce_sum3A_206 : vector<512xf32> to vector<512x1xf32>
    %eq3A_208 = vector.broadcast %slice3A_196 : vector<512x1xi32> to vector<512x8xi32>
    %eq3A_209 = arith.cmpi eq, %eq3A_208, %slice3A_199 : vector<512x8xi32>
    %jit3A_210 = arith.constant 0.000000e+00 : f32
    %broadcast_in_dim3A_211 = vector.broadcast %jit3A_210 : f32 to vector<512x8xf32>
    %select_n3A_212 = arith.select %eq3A_209, %add3A_198, %broadcast_in_dim3A_211 : vector<512x8xi1>, vector<512x8xf32>
    %reduce_sum3A_213 = arith.constant dense<0.000000e+00> : vector<512xf32>
    %reduce_sum3A_214 = vector.multi_reduction <add>, %select_n3A_212, %reduce_sum3A_213 [1] : vector<512x8xf32> to vector<512xf32>
    %broadcast_in_dim3A_215 = vector.shape_cast %reduce_sum3A_214 : vector<512xf32> to vector<512x1xf32>
    %convert_element_type3A_216 = arith.fptosi %broadcast_in_dim3A_207 : vector<512x1xf32> to vector<512x1xi32>
    %convert_element_type3A_217 = arith.fptosi %broadcast_in_dim3A_215 : vector<512x1xf32> to vector<512x1xi32>
    %concatenate3A_218 = tpu.concatenate %convert_element_type3A_216, %convert_element_type3A_217 in 1 : vector<512x1xi32>, vector<512x1xi32> -> vector<512x2xi32>
    %swap3A_219 = arith.constant 512 : index
    %swap3A_220 = arith.constant 0 : index
    %swap3A_221 = vector.load %arg3[%swap3A_219, %swap3A_220] : memref<2048x2xi32, #tpu.memory_space<vmem>>, vector<512x2xi32>
    tpu.vector_store %arg3[%swap3A_219, %swap3A_220], %concatenate3A_218 {strides = array<i32>} : memref<2048x2xi32, #tpu.memory_space<vmem>>, vector<512x2xi32>,
    %slice3A_222 = vector.extract_strided_slice %add3A_59 {offsets = [1024, 0], sizes = [512, 8], strides = [1, 1]} : vector<2048x8xf32> to vector<512x8xf32>
    %dot_general3A_223 = arith.constant dense<0.000000e+00> : vector<512x8xf32>
    %dot_general3A_224 = tpu.matmul %convert_element_type3A_148, %slice3A_222, %dot_general3A_223 {dimension_numbers = #tpu.dot_dimension_numbers<[1], [0], [0], [1], [0, 0, 1, 1], [], []>, transpose_lhs_hint = false} : vector<512x512xf32>, vector<512x8xf32>, vector<512x8xf32> -> vector<512x8xf32>
    %add3A_225 = vector.broadcast %add3A_194 : vector<1x8xf32> to vector<512x8xf32>
    %add3A_226 = arith.addf %dot_general3A_224, %add3A_225 : vector<512x8xf32>
    %reduce_sum3A_227 = arith.constant dense<0.000000e+00> : vector<8xf32>
    %reduce_sum3A_228 = vector.multi_reduction <add>, %slice3A_222, %reduce_sum3A_227 [0] : vector<512x8xf32> to vector<8xf32>
    %broadcast_in_dim3A_229 = vector.shape_cast %reduce_sum3A_228 : vector<8xf32> to vector<1x8xf32>
    %add3A_230 = arith.addf %add3A_194, %broadcast_in_dim3A_229 : vector<1x8xf32>
    %slice3A_231 = vector.extract_strided_slice %broadcast_in_dim3A_17 {offsets = [1024, 0], sizes = [512, 1], strides = [1, 1]} : vector<2048x1xi32> to vector<512x1xi32>
    %slice3A_232 = vector.extract_strided_slice %broadcast_in_dim3A_33 {offsets = [1024, 0], sizes = [512, 1], strides = [1, 1]} : vector<2048x1xi32> to vector<512x1xi32>
    %add3A_233 = vector.broadcast %add3A_144 : vector<1x8xf32> to vector<512x8xf32>
    %add3A_234 = arith.addf %add3A_233, %add3A_226 : vector<512x8xf32>
    %slice3A_235 = vector.extract_strided_slice %iota3A {offsets = [0, 0], sizes = [512, 8], strides = [1, 1]} : vector<2048x8xi32> to vector<512x8xi32>
    %eq3A_236 = vector.broadcast %slice3A_231 : vector<512x1xi32> to vector<512x8xi32>
    %eq3A_237 = arith.cmpi eq, %eq3A_236, %slice3A_235 : vector<512x8xi32>
    %jit3A_238 = arith.constant 0.000000e+00 : f32
    %broadcast_in_dim3A_239 = vector.broadcast %jit3A_238 : f32 to vector<512x8xf32>
    %select_n3A_240 = arith.select %eq3A_237, %add3A_234, %broadcast_in_dim3A_239 : vector<512x8xi1>, vector<512x8xf32>
    %reduce_sum3A_241 = arith.constant dense<0.000000e+00> : vector<512xf32>
    %reduce_sum3A_242 = vector.multi_reduction <add>, %select_n3A_240, %reduce_sum3A_241 [1] : vector<512x8xf32> to vector<512xf32>
    %broadcast_in_dim3A_243 = vector.shape_cast %reduce_sum3A_242 : vector<512xf32> to vector<512x1xf32>
    %eq3A_244 = vector.broadcast %slice3A_232 : vector<512x1xi32> to vector<512x8xi32>
    %eq3A_245 = arith.cmpi eq, %eq3A_244, %slice3A_235 : vector<512x8xi32>
    %jit3A_246 = arith.constant 0.000000e+00 : f32
    %broadcast_in_dim3A_247 = vector.broadcast %jit3A_246 : f32 to vector<512x8xf32>
    %select_n3A_248 = arith.select %eq3A_245, %add3A_234, %broadcast_in_dim3A_247 : vector<512x8xi1>, vector<512x8xf32>
    %reduce_sum3A_249 = arith.constant dense<0.000000e+00> : vector<512xf32>
    %reduce_sum3A_250 = vector.multi_reduction <add>, %select_n3A_248, %reduce_sum3A_249 [1] : vector<512x8xf32> to vector<512xf32>
    %broadcast_in_dim3A_251 = vector.shape_cast %reduce_sum3A_250 : vector<512xf32> to vector<512x1xf32>
    %convert_element_type3A_252 = arith.fptosi %broadcast_in_dim3A_243 : vector<512x1xf32> to vector<512x1xi32>
    %convert_element_type3A_253 = arith.fptosi %broadcast_in_dim3A_251 : vector<512x1xf32> to vector<512x1xi32>
    %concatenate3A_254 = tpu.concatenate %convert_element_type3A_252, %convert_element_type3A_253 in 1 : vector<512x1xi32>, vector<512x1xi32> -> vector<512x2xi32>
    %swap3A_255 = arith.constant 1024 : index
    %swap3A_256 = arith.constant 0 : index
    %swap3A_257 = vector.load %arg3[%swap3A_255, %swap3A_256] : memref<2048x2xi32, #tpu.memory_space<vmem>>, vector<512x2xi32>
    tpu.vector_store %arg3[%swap3A_255, %swap3A_256], %concatenate3A_254 {strides = array<i32>} : memref<2048x2xi32, #tpu.memory_space<vmem>>, vector<512x2xi32>,
    %slice3A_258 = vector.extract_strided_slice %add3A_59 {offsets = [1536, 0], sizes = [512, 8], strides = [1, 1]} : vector<2048x8xf32> to vector<512x8xf32>
    %dot_general3A_259 = arith.constant dense<0.000000e+00> : vector<512x8xf32>
    %dot_general3A_260 = tpu.matmul %convert_element_type3A_148, %slice3A_258, %dot_general3A_259 {dimension_numbers = #tpu.dot_dimension_numbers<[1], [0], [0], [1], [0, 0, 1, 1], [], []>, transpose_lhs_hint = false} : vector<512x512xf32>, vector<512x8xf32>, vector<512x8xf32> -> vector<512x8xf32>
    %add3A_261 = vector.broadcast %add3A_230 : vector<1x8xf32> to vector<512x8xf32>
    %add3A_262 = arith.addf %dot_general3A_260, %add3A_261 : vector<512x8xf32>
    %slice3A_263 = vector.extract_strided_slice %broadcast_in_dim3A_17 {offsets = [1536, 0], sizes = [512, 1], strides = [1, 1]} : vector<2048x1xi32> to vector<512x1xi32>
    %slice3A_264 = vector.extract_strided_slice %broadcast_in_dim3A_33 {offsets = [1536, 0], sizes = [512, 1], strides = [1, 1]} : vector<2048x1xi32> to vector<512x1xi32>
    %add3A_265 = vector.broadcast %add3A_144 : vector<1x8xf32> to vector<512x8xf32>
    %add3A_266 = arith.addf %add3A_265, %add3A_262 : vector<512x8xf32>
    %slice3A_267 = vector.extract_strided_slice %iota3A {offsets = [0, 0], sizes = [512, 8], strides = [1, 1]} : vector<2048x8xi32> to vector<512x8xi32>
    %eq3A_268 = vector.broadcast %slice3A_263 : vector<512x1xi32> to vector<512x8xi32>
    %eq3A_269 = arith.cmpi eq, %eq3A_268, %slice3A_267 : vector<512x8xi32>
    %jit3A_270 = arith.constant 0.000000e+00 : f32
    %broadcast_in_dim3A_271 = vector.broadcast %jit3A_270 : f32 to vector<512x8xf32>
    %select_n3A_272 = arith.select %eq3A_269, %add3A_266, %broadcast_in_dim3A_271 : vector<512x8xi1>, vector<512x8xf32>
    %reduce_sum3A_273 = arith.constant dense<0.000000e+00> : vector<512xf32>
    %reduce_sum3A_274 = vector.multi_reduction <add>, %select_n3A_272, %reduce_sum3A_273 [1] : vector<512x8xf32> to vector<512xf32>
    %broadcast_in_dim3A_275 = vector.shape_cast %reduce_sum3A_274 : vector<512xf32> to vector<512x1xf32>
    %eq3A_276 = vector.broadcast %slice3A_264 : vector<512x1xi32> to vector<512x8xi32>
    %eq3A_277 = arith.cmpi eq, %eq3A_276, %slice3A_267 : vector<512x8xi32>
    %jit3A_278 = arith.constant 0.000000e+00 : f32
    %broadcast_in_dim3A_279 = vector.broadcast %jit3A_278 : f32 to vector<512x8xf32>
    %select_n3A_280 = arith.select %eq3A_277, %add3A_266, %broadcast_in_dim3A_279 : vector<512x8xi1>, vector<512x8xf32>
    %reduce_sum3A_281 = arith.constant dense<0.000000e+00> : vector<512xf32>
    %reduce_sum3A_282 = vector.multi_reduction <add>, %select_n3A_280, %reduce_sum3A_281 [1] : vector<512x8xf32> to vector<512xf32>
    %broadcast_in_dim3A_283 = vector.shape_cast %reduce_sum3A_282 : vector<512xf32> to vector<512x1xf32>
    %convert_element_type3A_284 = arith.fptosi %broadcast_in_dim3A_275 : vector<512x1xf32> to vector<512x1xi32>
    %convert_element_type3A_285 = arith.fptosi %broadcast_in_dim3A_283 : vector<512x1xf32> to vector<512x1xi32>
    %concatenate3A_286 = tpu.concatenate %convert_element_type3A_284, %convert_element_type3A_285 in 1 : vector<512x1xi32>, vector<512x1xi32> -> vector<512x2xi32>
    %swap3A_287 = arith.constant 1536 : index
    %swap3A_288 = arith.constant 0 : index
    %swap3A_289 = vector.load %arg3[%swap3A_287, %swap3A_288] : memref<2048x2xi32, #tpu.memory_space<vmem>>, vector<512x2xi32>
    tpu.vector_store %arg3[%swap3A_287, %swap3A_288], %concatenate3A_286 {strides = array<i32>} : memref<2048x2xi32, #tpu.memory_space<vmem>>, vector<512x2xi32>,
    %iota3A_290 = tpu.iota {dimensions = array<i32: 1>} : vector<1x40xi32>
    %convert_element_type3A_291 = arith.sitofp %iota3A_290 : vector<1x40xi32> to vector<1x40xf32>
    %mul3A_292 = arith.constant 1.280000e+02 : f32
    %mul3A_293 = vector.broadcast %mul3A_292 : f32 to vector<1x40xf32>
    %mul3A_294 = arith.mulf %convert_element_type3A_291, %mul3A_293 : vector<1x40xf32>
    %broadcast_in_dim3A_295 = arith.constant 0.000000e+00 : f32
    %broadcast_in_dim3A_296 = vector.broadcast %broadcast_in_dim3A_295 : f32 to vector<1x40xf32>
    %slice3A_297 = vector.extract_strided_slice %add3A_144 {offsets = [0, 0], sizes = [1, 1], strides = [1, 1]} : vector<1x8xf32> to vector<1x1xf32>
    %ge3A = vector.broadcast %slice3A_297 : vector<1x1xf32> to vector<1x40xf32>
    %ge3A_298 = arith.cmpf oge, %mul3A_294, %ge3A : vector<1x40xf32>
    %convert_element_type3A_299 = arith.extui %ge3A_298 : vector<1x40xi1> to vector<1x40xi32>
    %convert_element_type3A_300 = arith.sitofp %convert_element_type3A_299 : vector<1x40xi32> to vector<1x40xf32>
    %add3A_301 = arith.addf %broadcast_in_dim3A_296, %convert_element_type3A_300 : vector<1x40xf32>
    %slice3A_302 = vector.extract_strided_slice %add3A_144 {offsets = [0, 1], sizes = [1, 1], strides = [1, 1]} : vector<1x8xf32> to vector<1x1xf32>
    %ge3A_303 = vector.broadcast %slice3A_302 : vector<1x1xf32> to vector<1x40xf32>
    %ge3A_304 = arith.cmpf oge, %mul3A_294, %ge3A_303 : vector<1x40xf32>
    %convert_element_type3A_305 = arith.extui %ge3A_304 : vector<1x40xi1> to vector<1x40xi32>
    %convert_element_type3A_306 = arith.sitofp %convert_element_type3A_305 : vector<1x40xi32> to vector<1x40xf32>
    %add3A_307 = arith.addf %add3A_301, %convert_element_type3A_306 : vector<1x40xf32>
    %slice3A_308 = vector.extract_strided_slice %add3A_144 {offsets = [0, 2], sizes = [1, 1], strides = [1, 1]} : vector<1x8xf32> to vector<1x1xf32>
    %ge3A_309 = vector.broadcast %slice3A_308 : vector<1x1xf32> to vector<1x40xf32>
    %ge3A_310 = arith.cmpf oge, %mul3A_294, %ge3A_309 : vector<1x40xf32>
    %convert_element_type3A_311 = arith.extui %ge3A_310 : vector<1x40xi1> to vector<1x40xi32>
    %convert_element_type3A_312 = arith.sitofp %convert_element_type3A_311 : vector<1x40xi32> to vector<1x40xf32>
    %add3A_313 = arith.addf %add3A_307, %convert_element_type3A_312 : vector<1x40xf32>
    %slice3A_314 = vector.extract_strided_slice %add3A_144 {offsets = [0, 3], sizes = [1, 1], strides = [1, 1]} : vector<1x8xf32> to vector<1x1xf32>
    %ge3A_315 = vector.broadcast %slice3A_314 : vector<1x1xf32> to vector<1x40xf32>
    %ge3A_316 = arith.cmpf oge, %mul3A_294, %ge3A_315 : vector<1x40xf32>
    %convert_element_type3A_317 = arith.extui %ge3A_316 : vector<1x40xi1> to vector<1x40xi32>
    %convert_element_type3A_318 = arith.sitofp %convert_element_type3A_317 : vector<1x40xi32> to vector<1x40xf32>
    %add3A_319 = arith.addf %add3A_313, %convert_element_type3A_318 : vector<1x40xf32>
    %slice3A_320 = vector.extract_strided_slice %add3A_144 {offsets = [0, 4], sizes = [1, 1], strides = [1, 1]} : vector<1x8xf32> to vector<1x1xf32>
    %ge3A_321 = vector.broadcast %slice3A_320 : vector<1x1xf32> to vector<1x40xf32>
    %ge3A_322 = arith.cmpf oge, %mul3A_294, %ge3A_321 : vector<1x40xf32>
    %convert_element_type3A_323 = arith.extui %ge3A_322 : vector<1x40xi1> to vector<1x40xi32>
    %convert_element_type3A_324 = arith.sitofp %convert_element_type3A_323 : vector<1x40xi32> to vector<1x40xf32>
    %add3A_325 = arith.addf %add3A_319, %convert_element_type3A_324 : vector<1x40xf32>
    %slice3A_326 = vector.extract_strided_slice %add3A_144 {offsets = [0, 5], sizes = [1, 1], strides = [1, 1]} : vector<1x8xf32> to vector<1x1xf32>
    %ge3A_327 = vector.broadcast %slice3A_326 : vector<1x1xf32> to vector<1x40xf32>
    %ge3A_328 = arith.cmpf oge, %mul3A_294, %ge3A_327 : vector<1x40xf32>
    %convert_element_type3A_329 = arith.extui %ge3A_328 : vector<1x40xi1> to vector<1x40xi32>
    %convert_element_type3A_330 = arith.sitofp %convert_element_type3A_329 : vector<1x40xi32> to vector<1x40xf32>
    %add3A_331 = arith.addf %add3A_325, %convert_element_type3A_330 : vector<1x40xf32>
    %slice3A_332 = vector.extract_strided_slice %add3A_144 {offsets = [0, 6], sizes = [1, 1], strides = [1, 1]} : vector<1x8xf32> to vector<1x1xf32>
    %ge3A_333 = vector.broadcast %slice3A_332 : vector<1x1xf32> to vector<1x40xf32>
    %ge3A_334 = arith.cmpf oge, %mul3A_294, %ge3A_333 : vector<1x40xf32>
    %convert_element_type3A_335 = arith.extui %ge3A_334 : vector<1x40xi1> to vector<1x40xi32>
    %convert_element_type3A_336 = arith.sitofp %convert_element_type3A_335 : vector<1x40xi32> to vector<1x40xf32>
    %add3A_337 = arith.addf %add3A_331, %convert_element_type3A_336 : vector<1x40xf32>
    %slice3A_338 = vector.extract_strided_slice %add3A_144 {offsets = [0, 7], sizes = [1, 1], strides = [1, 1]} : vector<1x8xf32> to vector<1x1xf32>
    %ge3A_339 = vector.broadcast %slice3A_338 : vector<1x1xf32> to vector<1x40xf32>
    %ge3A_340 = arith.cmpf oge, %mul3A_294, %ge3A_339 : vector<1x40xf32>
    %convert_element_type3A_341 = arith.extui %ge3A_340 : vector<1x40xi1> to vector<1x40xi32>
    %convert_element_type3A_342 = arith.sitofp %convert_element_type3A_341 : vector<1x40xi32> to vector<1x40xf32>
    %add3A_343 = arith.addf %add3A_337, %convert_element_type3A_342 : vector<1x40xf32>
    %convert_element_type3A_344 = arith.fptosi %add3A_343 : vector<1x40xf32> to vector<1x40xi32>
    %sub3A_345 = arith.constant 1 : i32
    %sub3A_346 = vector.broadcast %sub3A_345 : i32 to vector<1x40xi32>
    %sub3A_347 = arith.subi %convert_element_type3A_344, %sub3A_346 : vector<1x40xi32>
    %swap3A_348 = arith.constant 0 : index
    %swap3A_349 = arith.constant 0 : index
    %swap3A_350 = vector.load %arg4[%swap3A_348, %swap3A_349] : memref<1x40xi32, #tpu.memory_space<vmem>>, vector<1x40xi32>
    tpu.vector_store %arg4[%swap3A_348, %swap3A_349], %sub3A_347 {strides = array<i32>} : memref<1x40xi32, #tpu.memory_space<vmem>>, vector<1x40xi32>,
    return
  }
}

module attributes {stable_mosaic.version = 14 : i64} {
  func.func @_select_body(%arg0: memref<2048x128xi32, #tpu.memory_space<vmem>>, %arg1: memref<2048x128xi32, #tpu.memory_space<vmem>>, %arg2: memref<2048x8xf32, #tpu.memory_space<vmem>>, %arg3: memref<2048x6xf32, #tpu.memory_space<vmem>>, %arg4: memref<2048x6xi32, #tpu.memory_space<vmem>>) attributes {dimension_semantics = [], scalar_prefetch = 0 : i64, scratch_operands = 0 : i64, tpu.core_type = #tpu.core_type<tc>} {
    %get3A = arith.constant 0 : index
    %get3A_0 = arith.constant 0 : index
    %get3A_1 = vector.load %arg0[%get3A, %get3A_0] : memref<2048x128xi32, #tpu.memory_space<vmem>>, vector<2048x1xi32>
    %get3A_2 = arith.constant 0 : index
    %get3A_3 = arith.constant 0 : index
    %get3A_4 = vector.load %arg1[%get3A_2, %get3A_3] : memref<2048x128xi32, #tpu.memory_space<vmem>>, vector<2048x1xi32>
    %get3A_5 = arith.constant 0 : index
    %get3A_6 = arith.constant 0 : index
    %get3A_7 = vector.load %arg2[%get3A_5, %get3A_6] : memref<2048x8xf32, #tpu.memory_space<vmem>>, vector<2048x8xf32>
    %shift_right_arithmetic3A = arith.constant 12 : i32
    %shift_right_arithmetic3A_8 = vector.broadcast %shift_right_arithmetic3A : i32 to vector<2048x1xi32>
    %shift_right_arithmetic3A_9 = arith.shrsi %get3A_1, %shift_right_arithmetic3A_8 : vector<2048x1xi32>
    %shift_right_arithmetic3A_10 = arith.constant 12 : i32
    %shift_right_arithmetic3A_11 = vector.broadcast %shift_right_arithmetic3A_10 : i32 to vector<2048x1xi32>
    %shift_right_arithmetic3A_12 = arith.shrsi %get3A_4, %shift_right_arithmetic3A_11 : vector<2048x1xi32>
    %shift_right_arithmetic3A_13 = arith.constant 0 : i32
    %shift_right_arithmetic3A_14 = vector.broadcast %shift_right_arithmetic3A_13 : i32 to vector<2048x1xi32>
    %shift_right_arithmetic3A_15 = arith.shrsi %get3A_1, %shift_right_arithmetic3A_14 : vector<2048x1xi32>
    %and3A = arith.constant 7 : i32
    %and3A_16 = vector.broadcast %and3A : i32 to vector<2048x1xi32>
    %and3A_17 = arith.andi %shift_right_arithmetic3A_15, %and3A_16 : vector<2048x1xi32>
    %shift_right_arithmetic3A_18 = arith.constant 3 : i32
    %shift_right_arithmetic3A_19 = vector.broadcast %shift_right_arithmetic3A_18 : i32 to vector<2048x1xi32>
    %shift_right_arithmetic3A_20 = arith.shrsi %get3A_1, %shift_right_arithmetic3A_19 : vector<2048x1xi32>
    %and3A_21 = arith.constant 7 : i32
    %and3A_22 = vector.broadcast %and3A_21 : i32 to vector<2048x1xi32>
    %and3A_23 = arith.andi %shift_right_arithmetic3A_20, %and3A_22 : vector<2048x1xi32>
    %shift_right_arithmetic3A_24 = arith.constant 6 : i32
    %shift_right_arithmetic3A_25 = vector.broadcast %shift_right_arithmetic3A_24 : i32 to vector<2048x1xi32>
    %shift_right_arithmetic3A_26 = arith.shrsi %get3A_1, %shift_right_arithmetic3A_25 : vector<2048x1xi32>
    %and3A_27 = arith.constant 7 : i32
    %and3A_28 = vector.broadcast %and3A_27 : i32 to vector<2048x1xi32>
    %and3A_29 = arith.andi %shift_right_arithmetic3A_26, %and3A_28 : vector<2048x1xi32>
    %shift_right_arithmetic3A_30 = arith.constant 9 : i32
    %shift_right_arithmetic3A_31 = vector.broadcast %shift_right_arithmetic3A_30 : i32 to vector<2048x1xi32>
    %shift_right_arithmetic3A_32 = arith.shrsi %get3A_1, %shift_right_arithmetic3A_31 : vector<2048x1xi32>
    %and3A_33 = arith.constant 7 : i32
    %and3A_34 = vector.broadcast %and3A_33 : i32 to vector<2048x1xi32>
    %and3A_35 = arith.andi %shift_right_arithmetic3A_32, %and3A_34 : vector<2048x1xi32>
    %max3A = arith.maxsi %and3A_17, %and3A_23 : vector<2048x1xi32>
    %min3A = arith.minsi %and3A_17, %and3A_23 : vector<2048x1xi32>
    %max3A_36 = arith.maxsi %and3A_29, %and3A_35 : vector<2048x1xi32>
    %min3A_37 = arith.minsi %and3A_29, %and3A_35 : vector<2048x1xi32>
    %max3A_38 = arith.maxsi %max3A, %max3A_36 : vector<2048x1xi32>
    %min3A_39 = arith.minsi %max3A, %max3A_36 : vector<2048x1xi32>
    %max3A_40 = arith.maxsi %min3A, %min3A_37 : vector<2048x1xi32>
    %min3A_41 = arith.minsi %min3A, %min3A_37 : vector<2048x1xi32>
    %max3A_42 = arith.maxsi %max3A_40, %min3A_39 : vector<2048x1xi32>
    %min3A_43 = arith.minsi %max3A_40, %min3A_39 : vector<2048x1xi32>
    %mul3A = arith.constant 8 : i32
    %mul3A_44 = vector.broadcast %mul3A : i32 to vector<2048x1xi32>
    %mul3A_45 = arith.muli %shift_right_arithmetic3A_9, %mul3A_44 : vector<2048x1xi32>
    %add3A = arith.addi %max3A_38, %mul3A_45 : vector<2048x1xi32>
    %mul3A_46 = arith.constant 8 : i32
    %mul3A_47 = vector.broadcast %mul3A_46 : i32 to vector<2048x1xi32>
    %mul3A_48 = arith.muli %shift_right_arithmetic3A_9, %mul3A_47 : vector<2048x1xi32>
    %add3A_49 = arith.addi %max3A_42, %mul3A_48 : vector<2048x1xi32>
    %mul3A_50 = arith.constant 8 : i32
    %mul3A_51 = vector.broadcast %mul3A_50 : i32 to vector<2048x1xi32>
    %mul3A_52 = arith.muli %shift_right_arithmetic3A_9, %mul3A_51 : vector<2048x1xi32>
    %add3A_53 = arith.addi %min3A_43, %mul3A_52 : vector<2048x1xi32>
    %mul3A_54 = arith.constant 8 : i32
    %mul3A_55 = vector.broadcast %mul3A_54 : i32 to vector<2048x1xi32>
    %mul3A_56 = arith.muli %shift_right_arithmetic3A_9, %mul3A_55 : vector<2048x1xi32>
    %add3A_57 = arith.addi %min3A_41, %mul3A_56 : vector<2048x1xi32>
    %and3A_58 = arith.constant 7 : i32
    %and3A_59 = vector.broadcast %and3A_58 : i32 to vector<2048x1xi32>
    %and3A_60 = arith.andi %get3A_4, %and3A_59 : vector<2048x1xi32>
    %shift_right_arithmetic3A_61 = arith.constant 3 : i32
    %shift_right_arithmetic3A_62 = vector.broadcast %shift_right_arithmetic3A_61 : i32 to vector<2048x1xi32>
    %shift_right_arithmetic3A_63 = arith.shrsi %get3A_4, %shift_right_arithmetic3A_62 : vector<2048x1xi32>
    %and3A_64 = arith.constant 7 : i32
    %and3A_65 = vector.broadcast %and3A_64 : i32 to vector<2048x1xi32>
    %and3A_66 = arith.andi %shift_right_arithmetic3A_63, %and3A_65 : vector<2048x1xi32>
    %max3A_67 = arith.maxsi %and3A_60, %and3A_66 : vector<2048x1xi32>
    %mul3A_68 = arith.constant 8 : i32
    %mul3A_69 = vector.broadcast %mul3A_68 : i32 to vector<2048x1xi32>
    %mul3A_70 = arith.muli %shift_right_arithmetic3A_12, %mul3A_69 : vector<2048x1xi32>
    %add3A_71 = arith.addi %max3A_67, %mul3A_70 : vector<2048x1xi32>
    %min3A_72 = arith.minsi %and3A_60, %and3A_66 : vector<2048x1xi32>
    %mul3A_73 = arith.constant 8 : i32
    %mul3A_74 = vector.broadcast %mul3A_73 : i32 to vector<2048x1xi32>
    %mul3A_75 = arith.muli %shift_right_arithmetic3A_12, %mul3A_74 : vector<2048x1xi32>
    %add3A_76 = arith.addi %min3A_72, %mul3A_75 : vector<2048x1xi32>
    %concatenate3A = tpu.concatenate %add3A, %add3A_49, %add3A_53, %add3A_57, %add3A_71, %add3A_76 in 1 : vector<2048x1xi32>, vector<2048x1xi32>, vector<2048x1xi32>, vector<2048x1xi32>, vector<2048x1xi32>, vector<2048x1xi32> -> vector<2048x6xi32>
    %concatenate3A_77 = tpu.concatenate %add3A_71, %add3A_76, %add3A, %add3A_49, %add3A_53, %add3A_57 in 1 : vector<2048x1xi32>, vector<2048x1xi32>, vector<2048x1xi32>, vector<2048x1xi32>, vector<2048x1xi32>, vector<2048x1xi32> -> vector<2048x6xi32>
    %gt3A = arith.cmpi sgt, %shift_right_arithmetic3A_9, %shift_right_arithmetic3A_12 : vector<2048x1xi32>
    %broadcast_in_dim3A = vector.shape_cast %gt3A : vector<2048x1xi1> to vector<2048x1xi1>
    %broadcast_in_dim3A_78 = vector.broadcast %broadcast_in_dim3A : vector<2048x1xi1> to vector<2048x6xi1>
    %select_n3A = arith.select %broadcast_in_dim3A_78, %concatenate3A, %concatenate3A_77 : vector<2048x6xi1>, vector<2048x6xi32>
    %swap3A = arith.constant 0 : index
    %swap3A_79 = arith.constant 0 : index
    %swap3A_80 = vector.load %arg4[%swap3A, %swap3A_79] : memref<2048x6xi32, #tpu.memory_space<vmem>>, vector<2048x6xi32>
    tpu.vector_store %arg4[%swap3A, %swap3A_79], %select_n3A {strides = array<i32>} : memref<2048x6xi32, #tpu.memory_space<vmem>>, vector<2048x6xi32>,
    %slice3A = vector.extract_strided_slice %get3A_7 {offsets = [0, 0], sizes = [2048, 1], strides = [1, 1]} : vector<2048x8xf32> to vector<2048x1xf32>
    %slice3A_81 = vector.extract_strided_slice %get3A_7 {offsets = [0, 1], sizes = [2048, 1], strides = [1, 1]} : vector<2048x8xf32> to vector<2048x1xf32>
    %broadcast_in_dim3A_82 = vector.shape_cast %slice3A : vector<2048x1xf32> to vector<2048x1xf32>
    %broadcast_in_dim3A_83 = vector.broadcast %broadcast_in_dim3A_82 : vector<2048x1xf32> to vector<2048x4xf32>
    %broadcast_in_dim3A_84 = vector.shape_cast %slice3A_81 : vector<2048x1xf32> to vector<2048x1xf32>
    %broadcast_in_dim3A_85 = vector.broadcast %broadcast_in_dim3A_84 : vector<2048x1xf32> to vector<2048x2xf32>
    %concatenate3A_86 = tpu.concatenate %broadcast_in_dim3A_83, %broadcast_in_dim3A_85 in 1 : vector<2048x4xf32>, vector<2048x2xf32> -> vector<2048x6xf32>
    %swap3A_87 = arith.constant 0 : index
    %swap3A_88 = arith.constant 0 : index
    %swap3A_89 = vector.load %arg3[%swap3A_87, %swap3A_88] : memref<2048x6xf32, #tpu.memory_space<vmem>>, vector<2048x6xf32>
    tpu.vector_store %arg3[%swap3A_87, %swap3A_88], %concatenate3A_86 {strides = array<i32>} : memref<2048x6xf32, #tpu.memory_space<vmem>>, vector<2048x6xf32>,
    return
  }
}

module attributes {stable_mosaic.version = 14 : i64} {
  func.func @_gmm_body(%arg0: i32, %arg1: memref<40xi32, #tpu.memory_space<smem>>, %arg2: memref<128x1024xf32, #tpu.memory_space<vmem>>, %arg3: memref<8x256x1024xf32, #tpu.memory_space<vmem>>, %arg4: memref<8x256x1024xf32, #tpu.memory_space<vmem>>, %arg5: memref<256x8xf32, #tpu.memory_space<vmem>>, %arg6: memref<128x128xi32, #tpu.memory_space<vmem>>) attributes {dimension_semantics = [#tpu.dimension_semantics<arbitrary>], iteration_bounds = array<i64: 40>, scalar_prefetch = 1 : i64, scratch_operands = 0 : i64, tpu.core_type = #tpu.core_type<tc>, window_params = [{transform_indices = @transform_0, window_bounds = array<i64: 128, 1024>}, {pipeline_mode = #tpu.pipeline_mode<synchronous>, transform_indices = @transform_1, window_bounds = array<i64: 8, 256, 1024>}, {pipeline_mode = #tpu.pipeline_mode<synchronous>, transform_indices = @transform_2, window_bounds = array<i64: 8, 256, 1024>}, {pipeline_mode = #tpu.pipeline_mode<synchronous>, transform_indices = @transform_3, window_bounds = array<i64: 256, 8>}, {transform_indices = @transform_4, window_bounds = array<i64: 128, 128>}]} {
    %get3A = arith.index_cast %arg0 : i32 to index
    %get3A_0 = memref.load %arg1[%get3A] : memref<40xi32, #tpu.memory_space<smem>>
    %get3A_1 = arith.constant 0 : index
    %get3A_2 = arith.constant 0 : index
    %get3A_3 = vector.load %arg2[%get3A_1, %get3A_2] : memref<128x1024xf32, #tpu.memory_space<vmem>>, vector<128x1024xf32>
    %get3A_4 = arith.index_cast %get3A_0 : i32 to index
    %get3A_5 = arith.constant 0 : index
    %get3A_6 = arith.constant 0 : index
    %get3A_7 = vector.load %arg3[%get3A_4, %get3A_5, %get3A_6] : memref<8x256x1024xf32, #tpu.memory_space<vmem>>, vector<1x256x1024xf32>
    %squeeze3A = vector.shape_cast %get3A_7 : vector<1x256x1024xf32> to vector<256x1024xf32>
    %get3A_8 = arith.index_cast %get3A_0 : i32 to index
    %get3A_9 = arith.constant 0 : index
    %get3A_10 = arith.constant 0 : index
    %get3A_11 = vector.load %arg4[%get3A_8, %get3A_9, %get3A_10] : memref<8x256x1024xf32, #tpu.memory_space<vmem>>, vector<1x256x1024xf32>
    %squeeze3A_12 = vector.shape_cast %get3A_11 : vector<1x256x1024xf32> to vector<256x1024xf32>
    %dot_general3A = arith.constant dense<0.000000e+00> : vector<128x256xf32>
    %dot_general3A_13 = tpu.matmul %get3A_3, %squeeze3A, %dot_general3A {dimension_numbers = #tpu.dot_dimension_numbers<[1], [1], [0], [0], [0, 0, 1, 0], [], []>, transpose_lhs_hint = false} : vector<128x1024xf32>, vector<256x1024xf32>, vector<128x256xf32> -> vector<128x256xf32>
    %dot_general3A_14 = arith.constant dense<0.000000e+00> : vector<128x256xf32>
    %dot_general3A_15 = tpu.matmul %get3A_3, %squeeze3A_12, %dot_general3A_14 {dimension_numbers = #tpu.dot_dimension_numbers<[1], [1], [0], [0], [0, 0, 1, 0], [], []>, transpose_lhs_hint = false} : vector<128x1024xf32>, vector<256x1024xf32>, vector<128x256xf32> -> vector<128x256xf32>
    %mul3A = arith.mulf %dot_general3A_15, %dot_general3A_13 : vector<128x256xf32>
    %logistic3A = arith.negf %dot_general3A_13 : vector<128x256xf32>
    %logistic3A_16 = math.exp %logistic3A : vector<128x256xf32>
    %logistic3A_17 = arith.constant 1.000000e+00 : f32
    %logistic3A_18 = vector.broadcast %logistic3A_17 : f32 to vector<128x256xf32>
    %logistic3A_19 = arith.addf %logistic3A_18, %logistic3A_16 : vector<128x256xf32>
    %logistic3A_20 = arith.divf %logistic3A_18, %logistic3A_19 : vector<128x256xf32>
    %mul3A_21 = arith.mulf %mul3A, %logistic3A_20 : vector<128x256xf32>
    %abs3A = math.absf %mul3A_21 : vector<128x256xf32>
    %get3A_22 = arith.constant 0 : index
    %get3A_23 = arith.constant 0 : index
    %get3A_24 = vector.load %arg5[%get3A_22, %get3A_23] : memref<256x8xf32, #tpu.memory_space<vmem>>, vector<256x8xf32>
    %dot_general3A_25 = arith.constant dense<0.000000e+00> : vector<128x8xf32>
    %dot_general3A_26 = tpu.matmul %abs3A, %get3A_24, %dot_general3A_25 {dimension_numbers = #tpu.dot_dimension_numbers<[1], [0], [0], [1], [0, 0, 1, 1], [], []>, transpose_lhs_hint = false} : vector<128x256xf32>, vector<256x8xf32>, vector<128x8xf32> -> vector<128x8xf32>
    %iota3A = tpu.iota {dimensions = array<i32: 1>} : vector<128x8xi32>
    %broadcast_in_dim3A = arith.constant 0 : i32
    %broadcast_in_dim3A_27 = vector.broadcast %broadcast_in_dim3A : i32 to vector<128x8xi32>
    %slice3A = vector.extract_strided_slice %dot_general3A_26 {offsets = [0, 0], sizes = [128, 1], strides = [1, 1]} : vector<128x8xf32> to vector<128x1xf32>
    %gt3A = vector.broadcast %slice3A : vector<128x1xf32> to vector<128x8xf32>
    %gt3A_28 = arith.cmpf ogt, %gt3A, %dot_general3A_26 : vector<128x8xf32>
    %eq3A = vector.broadcast %slice3A : vector<128x1xf32> to vector<128x8xf32>
    %eq3A_29 = arith.cmpf oeq, %eq3A, %dot_general3A_26 : vector<128x8xf32>
    %gt3A_30 = arith.constant 0 : i32
    %gt3A_31 = vector.broadcast %gt3A_30 : i32 to vector<128x8xi32>
    %gt3A_32 = arith.cmpi sgt, %iota3A, %gt3A_31 : vector<128x8xi32>
    %and3A = arith.andi %eq3A_29, %gt3A_32 : vector<128x8xi1>
    %or3A = arith.ori %gt3A_28, %and3A : vector<128x8xi1>
    %convert_element_type3A = arith.extui %or3A : vector<128x8xi1> to vector<128x8xi32>
    %add3A = arith.addi %broadcast_in_dim3A_27, %convert_element_type3A : vector<128x8xi32>
    %slice3A_33 = vector.extract_strided_slice %dot_general3A_26 {offsets = [0, 1], sizes = [128, 1], strides = [1, 1]} : vector<128x8xf32> to vector<128x1xf32>
    %gt3A_34 = vector.broadcast %slice3A_33 : vector<128x1xf32> to vector<128x8xf32>
    %gt3A_35 = arith.cmpf ogt, %gt3A_34, %dot_general3A_26 : vector<128x8xf32>
    %eq3A_36 = vector.broadcast %slice3A_33 : vector<128x1xf32> to vector<128x8xf32>
    %eq3A_37 = arith.cmpf oeq, %eq3A_36, %dot_general3A_26 : vector<128x8xf32>
    %gt3A_38 = arith.constant 1 : i32
    %gt3A_39 = vector.broadcast %gt3A_38 : i32 to vector<128x8xi32>
    %gt3A_40 = arith.cmpi sgt, %iota3A, %gt3A_39 : vector<128x8xi32>
    %and3A_41 = arith.andi %eq3A_37, %gt3A_40 : vector<128x8xi1>
    %or3A_42 = arith.ori %gt3A_35, %and3A_41 : vector<128x8xi1>
    %convert_element_type3A_43 = arith.extui %or3A_42 : vector<128x8xi1> to vector<128x8xi32>
    %add3A_44 = arith.addi %add3A, %convert_element_type3A_43 : vector<128x8xi32>
    %slice3A_45 = vector.extract_strided_slice %dot_general3A_26 {offsets = [0, 2], sizes = [128, 1], strides = [1, 1]} : vector<128x8xf32> to vector<128x1xf32>
    %gt3A_46 = vector.broadcast %slice3A_45 : vector<128x1xf32> to vector<128x8xf32>
    %gt3A_47 = arith.cmpf ogt, %gt3A_46, %dot_general3A_26 : vector<128x8xf32>
    %eq3A_48 = vector.broadcast %slice3A_45 : vector<128x1xf32> to vector<128x8xf32>
    %eq3A_49 = arith.cmpf oeq, %eq3A_48, %dot_general3A_26 : vector<128x8xf32>
    %gt3A_50 = arith.constant 2 : i32
    %gt3A_51 = vector.broadcast %gt3A_50 : i32 to vector<128x8xi32>
    %gt3A_52 = arith.cmpi sgt, %iota3A, %gt3A_51 : vector<128x8xi32>
    %and3A_53 = arith.andi %eq3A_49, %gt3A_52 : vector<128x8xi1>
    %or3A_54 = arith.ori %gt3A_47, %and3A_53 : vector<128x8xi1>
    %convert_element_type3A_55 = arith.extui %or3A_54 : vector<128x8xi1> to vector<128x8xi32>
    %add3A_56 = arith.addi %add3A_44, %convert_element_type3A_55 : vector<128x8xi32>
    %slice3A_57 = vector.extract_strided_slice %dot_general3A_26 {offsets = [0, 3], sizes = [128, 1], strides = [1, 1]} : vector<128x8xf32> to vector<128x1xf32>
    %gt3A_58 = vector.broadcast %slice3A_57 : vector<128x1xf32> to vector<128x8xf32>
    %gt3A_59 = arith.cmpf ogt, %gt3A_58, %dot_general3A_26 : vector<128x8xf32>
    %eq3A_60 = vector.broadcast %slice3A_57 : vector<128x1xf32> to vector<128x8xf32>
    %eq3A_61 = arith.cmpf oeq, %eq3A_60, %dot_general3A_26 : vector<128x8xf32>
    %gt3A_62 = arith.constant 3 : i32
    %gt3A_63 = vector.broadcast %gt3A_62 : i32 to vector<128x8xi32>
    %gt3A_64 = arith.cmpi sgt, %iota3A, %gt3A_63 : vector<128x8xi32>
    %and3A_65 = arith.andi %eq3A_61, %gt3A_64 : vector<128x8xi1>
    %or3A_66 = arith.ori %gt3A_59, %and3A_65 : vector<128x8xi1>
    %convert_element_type3A_67 = arith.extui %or3A_66 : vector<128x8xi1> to vector<128x8xi32>
    %add3A_68 = arith.addi %add3A_56, %convert_element_type3A_67 : vector<128x8xi32>
    %slice3A_69 = vector.extract_strided_slice %dot_general3A_26 {offsets = [0, 4], sizes = [128, 1], strides = [1, 1]} : vector<128x8xf32> to vector<128x1xf32>
    %gt3A_70 = vector.broadcast %slice3A_69 : vector<128x1xf32> to vector<128x8xf32>
    %gt3A_71 = arith.cmpf ogt, %gt3A_70, %dot_general3A_26 : vector<128x8xf32>
    %eq3A_72 = vector.broadcast %slice3A_69 : vector<128x1xf32> to vector<128x8xf32>
    %eq3A_73 = arith.cmpf oeq, %eq3A_72, %dot_general3A_26 : vector<128x8xf32>
    %gt3A_74 = arith.constant 4 : i32
    %gt3A_75 = vector.broadcast %gt3A_74 : i32 to vector<128x8xi32>
    %gt3A_76 = arith.cmpi sgt, %iota3A, %gt3A_75 : vector<128x8xi32>
    %and3A_77 = arith.andi %eq3A_73, %gt3A_76 : vector<128x8xi1>
    %or3A_78 = arith.ori %gt3A_71, %and3A_77 : vector<128x8xi1>
    %convert_element_type3A_79 = arith.extui %or3A_78 : vector<128x8xi1> to vector<128x8xi32>
    %add3A_80 = arith.addi %add3A_68, %convert_element_type3A_79 : vector<128x8xi32>
    %slice3A_81 = vector.extract_strided_slice %dot_general3A_26 {offsets = [0, 5], sizes = [128, 1], strides = [1, 1]} : vector<128x8xf32> to vector<128x1xf32>
    %gt3A_82 = vector.broadcast %slice3A_81 : vector<128x1xf32> to vector<128x8xf32>
    %gt3A_83 = arith.cmpf ogt, %gt3A_82, %dot_general3A_26 : vector<128x8xf32>
    %eq3A_84 = vector.broadcast %slice3A_81 : vector<128x1xf32> to vector<128x8xf32>
    %eq3A_85 = arith.cmpf oeq, %eq3A_84, %dot_general3A_26 : vector<128x8xf32>
    %gt3A_86 = arith.constant 5 : i32
    %gt3A_87 = vector.broadcast %gt3A_86 : i32 to vector<128x8xi32>
    %gt3A_88 = arith.cmpi sgt, %iota3A, %gt3A_87 : vector<128x8xi32>
    %and3A_89 = arith.andi %eq3A_85, %gt3A_88 : vector<128x8xi1>
    %or3A_90 = arith.ori %gt3A_83, %and3A_89 : vector<128x8xi1>
    %convert_element_type3A_91 = arith.extui %or3A_90 : vector<128x8xi1> to vector<128x8xi32>
    %add3A_92 = arith.addi %add3A_80, %convert_element_type3A_91 : vector<128x8xi32>
    %slice3A_93 = vector.extract_strided_slice %dot_general3A_26 {offsets = [0, 6], sizes = [128, 1], strides = [1, 1]} : vector<128x8xf32> to vector<128x1xf32>
    %gt3A_94 = vector.broadcast %slice3A_93 : vector<128x1xf32> to vector<128x8xf32>
    %gt3A_95 = arith.cmpf ogt, %gt3A_94, %dot_general3A_26 : vector<128x8xf32>
    %eq3A_96 = vector.broadcast %slice3A_93 : vector<128x1xf32> to vector<128x8xf32>
    %eq3A_97 = arith.cmpf oeq, %eq3A_96, %dot_general3A_26 : vector<128x8xf32>
    %gt3A_98 = arith.constant 6 : i32
    %gt3A_99 = vector.broadcast %gt3A_98 : i32 to vector<128x8xi32>
    %gt3A_100 = arith.cmpi sgt, %iota3A, %gt3A_99 : vector<128x8xi32>
    %and3A_101 = arith.andi %eq3A_97, %gt3A_100 : vector<128x8xi1>
    %or3A_102 = arith.ori %gt3A_95, %and3A_101 : vector<128x8xi1>
    %convert_element_type3A_103 = arith.extui %or3A_102 : vector<128x8xi1> to vector<128x8xi32>
    %add3A_104 = arith.addi %add3A_92, %convert_element_type3A_103 : vector<128x8xi32>
    %slice3A_105 = vector.extract_strided_slice %dot_general3A_26 {offsets = [0, 7], sizes = [128, 1], strides = [1, 1]} : vector<128x8xf32> to vector<128x1xf32>
    %gt3A_106 = vector.broadcast %slice3A_105 : vector<128x1xf32> to vector<128x8xf32>
    %gt3A_107 = arith.cmpf ogt, %gt3A_106, %dot_general3A_26 : vector<128x8xf32>
    %eq3A_108 = vector.broadcast %slice3A_105 : vector<128x1xf32> to vector<128x8xf32>
    %eq3A_109 = arith.cmpf oeq, %eq3A_108, %dot_general3A_26 : vector<128x8xf32>
    %gt3A_110 = arith.constant 7 : i32
    %gt3A_111 = vector.broadcast %gt3A_110 : i32 to vector<128x8xi32>
    %gt3A_112 = arith.cmpi sgt, %iota3A, %gt3A_111 : vector<128x8xi32>
    %and3A_113 = arith.andi %eq3A_109, %gt3A_112 : vector<128x8xi1>
    %or3A_114 = arith.ori %gt3A_107, %and3A_113 : vector<128x8xi1>
    %convert_element_type3A_115 = arith.extui %or3A_114 : vector<128x8xi1> to vector<128x8xi32>
    %add3A_116 = arith.addi %add3A_104, %convert_element_type3A_115 : vector<128x8xi32>
    %mul3A_117 = arith.constant 4096 : i32
    %mul3A_118 = arith.muli %get3A_0, %mul3A_117 : i32
    %lt3A = arith.constant 4 : i32
    %lt3A_119 = vector.broadcast %lt3A : i32 to vector<128x8xi32>
    %lt3A_120 = arith.cmpi slt, %add3A_116, %lt3A_119 : vector<128x8xi32>
    %mul3A_121 = arith.constant 3 : i32
    %mul3A_122 = vector.broadcast %mul3A_121 : i32 to vector<128x8xi32>
    %mul3A_123 = arith.muli %mul3A_122, %add3A_116 : vector<128x8xi32>
    %shift_left3A = arith.shli %iota3A, %mul3A_123 : vector<128x8xi32>
    %jit3A = arith.constant 0 : i32
    %broadcast_in_dim3A_124 = vector.broadcast %jit3A : i32 to vector<128x8xi32>
    %select_n3A = arith.select %lt3A_120, %shift_left3A, %broadcast_in_dim3A_124 : vector<128x8xi1>, vector<128x8xi32>
    %reduce_sum3A = arith.constant dense<0> : vector<128xi32>
    %reduce_sum3A_125 = vector.multi_reduction <add>, %select_n3A, %reduce_sum3A [1] : vector<128x8xi32> to vector<128xi32>
    %broadcast_in_dim3A_126 = vector.shape_cast %reduce_sum3A_125 : vector<128xi32> to vector<128x1xi32>
    %add3A_127 = vector.broadcast %mul3A_118 : i32 to vector<128x1xi32>
    %add3A_128 = arith.addi %add3A_127, %broadcast_in_dim3A_126 : vector<128x1xi32>
    %broadcast_in_dim3A_129 = vector.shape_cast %add3A_128 : vector<128x1xi32> to vector<128x1xi32>
    %broadcast_in_dim3A_130 = vector.broadcast %broadcast_in_dim3A_129 : vector<128x1xi32> to vector<128x128xi32>
    %swap3A = arith.constant 0 : index
    %swap3A_131 = arith.constant 0 : index
    %swap3A_132 = vector.load %arg6[%swap3A, %swap3A_131] : memref<128x128xi32, #tpu.memory_space<vmem>>, vector<128x128xi32>
    tpu.vector_store %arg6[%swap3A, %swap3A_131], %broadcast_in_dim3A_130 {strides = array<i32>} : memref<128x128xi32, #tpu.memory_space<vmem>>, vector<128x128xi32>,
    return
  }
  func.func @transform_0(%arg0: i32, %arg1: memref<40xi32, #tpu.memory_space<smem>>) -> (i32, i32) {
    %c0_i32 = arith.constant 0 : i32
    %c0_i32_0 = arith.constant 0 : i32
    return %arg0, %c0_i32 : i32, i32
  }
  func.func @transform_1(%arg0: i32, %arg1: memref<40xi32, #tpu.memory_space<smem>>) -> (i32, i32, i32) {
    %c0_i32 = arith.constant 0 : i32
    %c0_i32_0 = arith.constant 0 : i32
    %c0_i32_1 = arith.constant 0 : i32
    %c0_i32_2 = arith.constant 0 : i32
    return %c0_i32, %c0_i32_0, %c0_i32_1 : i32, i32, i32
  }
  func.func @transform_2(%arg0: i32, %arg1: memref<40xi32, #tpu.memory_space<smem>>) -> (i32, i32, i32) {
    %c0_i32 = arith.constant 0 : i32
    %c0_i32_0 = arith.constant 0 : i32
    %c0_i32_1 = arith.constant 0 : i32
    %c0_i32_2 = arith.constant 0 : i32
    return %c0_i32, %c0_i32_0, %c0_i32_1 : i32, i32, i32
  }
  func.func @transform_3(%arg0: i32, %arg1: memref<40xi32, #tpu.memory_space<smem>>) -> (i32, i32) {
    %c0_i32 = arith.constant 0 : i32
    %c0_i32_0 = arith.constant 0 : i32
    %c0_i32_1 = arith.constant 0 : i32
    return %c0_i32, %c0_i32_0 : i32, i32
  }
  func.func @transform_4(%arg0: i32, %arg1: memref<40xi32, #tpu.memory_space<smem>>) -> (i32, i32) {
    %c0_i32 = arith.constant 0 : i32
    %c0_i32_0 = arith.constant 0 : i32
    return %arg0, %c0_i32 : i32, i32
  }
}

</mosaic_0001>

<sc_bundles>
// kernel: kernel.10.cloned.1.call-start
scs
__scs_entry_jumppad:
0x0: {  	(pc) =	sbr.rel $0x88, $3  }
0x1: {  	(tag) =	ssettag $0x0;
	lr =	simm.s32 $0x1  }
0x2: {  	[smem:$0x3F9D] =	sst lr;
	_ =	strace $0xD0000000  }
0x3: {  	_ = 	snop  }
0x4: {  	_ = 	snop  }
0x5: {  	_ = 	snop  }
0x6: {  	_ = 	snop  }
0x7: {  	_ = 	snop  }
__scs_overlays_trampoline_lowered:
0x8: {  	[smem:$0x3FAC] =	sst s0  }
0x9: {  	[smem:$0x3FAD] =	sst s1  }
0xa: {  	[smem:$0x3FAE] =	sst s2  }
0xb: {  	[smem:$0x3FAF] =	sst s3  }
0xc: {  	[smem:$0x3FB0] =	sst s4  }
0xd: {  	[smem:$0x3FB1] =	sst s5  }
0xe: {  	[smem:$0x3FB2] =	sst s6  }
0xf: {  	[smem:$0x3FB3] =	sst s7  }
0x10: {  	[smem:$0x3FB4] =	sst s8  }
0x11: {  	[smem:$0x3FB5] =	sst s9;
	s0 =	simm.s32 @!p0 $0x0  }
0x12: {  	s1 =	sld [smem:$0x3F9B];
	s0 =	simm.s32 @p0 $0x1  }
0x13: {  	[smem:$0x3FB6] =	sst s0;
	s0 =	simm.s32 @!p1 $0x0  }
0x14: {  	s2 =	sld [smem:$0x3F9A];
	s0 =	simm.s32 @p1 $0x1  }
0x15: {  	[smem:$0x3FB7] =	sst s0;
	s0 =	simm.s32 @!p2 $0x0  }
0x16: {  	s3 =	sld [smem:$0x3FDB];
	s0 =	simm.s32 @p2 $0x1  }
0x17: {  	s4 =	simm.s32 $0x1BF5;
	[smem:$0x3FB9] =	sst s0  }
0x18: {  	s0 =	sld [smem:$0x3F9C];
	_ =	swait.ge [sflag:s4], $0x0  }
0x19: {  	s7 =	sld [smem:$0x3F9D]  }
0x1a: {  	s8 =	sadd.s32 $0xFFFFE003, lr  }
0x1b: {  	s9 =	sadd.s32 $0xFFFFFEF7, lr;
	s5 =	simm.s32 $0xFFFFFFFF;
	p2 =	slt.u32 s8, $0xFFFFF086  }
0x1c: {  	p1 =	slt.u32 s9, $0xF7A;
	s5 =	simm.s32 @!p2 $0x0  }
0x1d: {  	s5 =	simm.s32 @p1 $0x1;
	p0 =	seq.s32 s7, s2  }
0x1e: {  	s7 =	smul.u32 @!p0 $0xF7A, s2;
	p2 =	seq.s32 @!p0 s5, $0x0  }
0x1f: {  	s9 =	smul.u32 $0xF7A, s1;
	s8 =	simm.s32 @!p0 $0x1BF5;
	p2 =	por !p2, p0  }
0x20: {  	[sflag:s8] =	ssyncset.s32 @!p0 $0xFFFFF086;
	s6 =	sadd.s32 @!p0 s3, s7;
	s7 =	simm.s32 @!p0 $0x108  }
0x21: {  	s3 =	sadd.s32 s3, s9;
	s6 =	sadd.s32 @!p0 $0x88, s6;
	s7 =	simm.s32 @p2 $0x1082  }
0x22: {  	[simem:s7], [sflag:s8] =	dma.local @!p0 [hbm:s6], $0xF7A  }
0x23: {  	s9 =	sor.u32 $0xD0000000, s2;
	s6 =	simm.s32 $0x108;
	_ =	swait.ge @!p0 [sflag:s8], $0x0  }
0x24: {  	s3 =	sadd.s32 $0x88, s3;
	s6 =	simm.s32 @!p1 $0x1082;
	[sflag:s4] =	ssyncset.s32 $0xFFFFF086  }
0x25: {  	[simem:s6], [sflag:s4] =	dma.local [hbm:s3], $0xF7A  }
0x26: {  	[smem:$0x3F9D] =	sst s1;
	(tag) =	ssettag s2;
	_ =	strace s9  }
0x27: {  	s1 =	sld [smem:$0x3FAD]  }
0x28: {  	s2 =	sld [smem:$0x3FAE]  }
0x29: {  	s4 =	sld [smem:$0x3FB0]  }
0x2a: {  	p0 =	seq.s32 s5, $0x0;
	s5 =	sld [smem:$0x3FB1]  }
0x2b: {  	s6 =	sld [smem:$0x3FB2]  }
0x2c: {  	s7 =	sld [smem:$0x3FB3]  }
0x2d: {  	s3 =	simm.s32 $0x108;
	s8 =	sld [smem:$0x3FB4]  }
0x2e: {  	s3 =	simm.s32 @!p0 $0x1082;
	s9 =	sld [smem:$0x3FB5]  }
0x2f: {  	lr =	sadd.s32 s0, s3;
	s0 =	sld [smem:$0x3FAC]  }
0x30: {  	s3 =	sld [smem:$0x3FAF]  }
0x31: {  	[smem:$0x3FB8] =	sst s10  }
0x32: {  	s10 =	sld [smem:$0x3FB6];
	_ =	sdelay $0x3  }
0x33: {  	p0 =	seq.s32 s10, $0x1;
	s10 =	sld [smem:$0x3FB8];
	_ =	sdelay $0x3  }
0x34: {  	[smem:$0x3FB8] =	sst s10  }
0x35: {  	s10 =	sld [smem:$0x3FB7];
	_ =	sdelay $0x3  }
0x36: {  	p1 =	seq.s32 s10, $0x1;
	s10 =	sld [smem:$0x3FB8];
	_ =	sdelay $0x3  }
0x37: {  	[smem:$0x3FB8] =	sst s10  }
0x38: {  	s10 =	sld [smem:$0x3FB9]  }
0x39: {  	_ = 	snop;
	(pc) =	sbr.ind lr, $3  }
0x3a: {  	_ = 	snop  }
0x3b: {  	_ = 	snop  }
0x3c: {  	p2 =	seq.s32 s10, $0x1;
	s10 =	sld [smem:$0x3FB8]  }
0x3d: {  	_ =	shalt  }
0x3e: {  	_ =	shalt  }
0x3f: {  	_ =	shalt  }
0x40: {  	_ =	shalt  }
0x41: {  	_ =	shalt  }
0x42: {  	_ =	shalt  }
0x43: {  	_ =	shalt  }
0x44: {  	_ =	shalt  }
0x45: {  	_ =	shalt  }
0x46: {  	_ =	shalt  }
0x47: {  	_ =	shalt  }
0x48: {  	_ =	shalt  }
0x49: {  	_ =	shalt  }
0x4a: {  	_ =	shalt  }
0x4b: {  	_ =	shalt  }
0x4c: {  	_ =	shalt  }
0x4d: {  	_ =	shalt  }
0x4e: {  	_ =	shalt  }
0x4f: {  	_ =	shalt  }
0x50: {  	_ =	shalt  }
0x51: {  	_ =	shalt  }
0x52: {  	_ =	shalt  }
0x53: {  	_ =	shalt  }
0x54: {  	_ =	shalt  }
0x55: {  	_ =	shalt  }
0x56: {  	_ =	shalt  }
0x57: {  	_ =	shalt  }
0x58: {  	_ =	shalt  }
0x59: {  	_ =	shalt  }
0x5a: {  	_ =	shalt  }
0x5b: {  	_ =	shalt  }
0x5c: {  	_ =	shalt  }
0x5d: {  	_ =	shalt  }
0x5e: {  	_ =	shalt  }
0x5f: {  	_ =	shalt  }
0x60: {  	_ =	shalt  }
0x61: {  	_ =	shalt  }
0x62: {  	_ =	shalt  }
0x63: {  	_ =	shalt  }
0x64: {  	_ =	shalt  }
0x65: {  	_ =	shalt  }
0x66: {  	_ =	shalt  }
0x67: {  	_ =	shalt  }
0x68: {  	_ =	shalt  }
0x69: {  	_ =	shalt  }
0x6a: {  	_ =	shalt  }
0x6b: {  	_ =	shalt  }
0x6c: {  	_ =	shalt  }
0x6d: {  	_ =	shalt  }
0x6e: {  	_ =	shalt  }
0x6f: {  	_ =	shalt  }
0x70: {  	_ =	shalt  }
0x71: {  	_ =	shalt  }
0x72: {  	_ =	shalt  }
0x73: {  	_ =	shalt  }
0x74: {  	_ =	shalt  }
0x75: {  	_ =	shalt  }
0x76: {  	_ =	shalt  }
0x77: {  	_ =	shalt  }
0x78: {  	_ =	shalt  }
0x79: {  	_ =	shalt  }
0x7a: {  	_ =	shalt  }
0x7b: {  	_ =	shalt  }
0x7c: {  	_ =	shalt  }
0x7d: {  	_ =	shalt  }
0x7e: {  	_ =	shalt  }
0x7f: {  	_ =	shalt  }
0x80: {  	_ =	shalt  }
0x81: {  	_ =	shalt  }
0x82: {  	_ =	shalt  }
0x83: {  	_ =	shalt  }
0x84: {  	_ =	shalt  }
0x85: {  	_ =	shalt  }
0x86: {  	_ =	shalt  }
0x87: {  	_ =	shalt  }
.Lfunc_end0:
.L_simem_size_0:
called_computation.1_lowered:
.L_overlay_start_0:
0x88: {  	s2 =	sld [smem:$0x3FD9]  }
0x89: {  	s3 =	sld [smem:$0x3FFE];
	_ =	sdelay $0x1  }
0x8a: {  	s1 =	srdreg.scid  }
0x8b: {  	s0 =	sand.u32 $0x1, s1  }
0x8c: {  	s14 =	sshll.u32 s0, $0xA;
	s2 =	sadd.s32 s3, s2  }
0x8d: {  	s2 =	sadd.s32 s2, s14  }
0x8e: {  	[smem:$0x3FC4] =	sst s2  }
0x8f: {  	_ = 	snop  }
0x90: {  	s2 =	sld [smem:$0x3FD0];
	_ =	sdelay $0x2  }
0x91: {  	s15 =	simm.s32 $0xA;
	s4 =	simm.s32 $0x10  }
0x92: {  	[smem:s4], [sflag:s15] =	dma.local [hbm:s2], $0x1  }
0x93: {  	_ =	swait.eq [sflag:s15], $0x1  }
0x94: {  	[sflag:s15] =	ssyncset.done $0x0  }
0x95: {  	s16 =	sld [smem:$0x10];
	[sflag:s15] =	ssyncadd.s32 $0xFFFFFFFF  }
0x96: {  	s17 =	sld [smem:$0x11];
	(tm) =	ssettm $0x1  }
0x97: {  	s18 =	sld [smem:$0x3FFB];
	_ =	sdelay $0x3  }
0x98: {  	_ =	strace s18  }
0x99: {  	s4 =	sld [smem:$0x3FFC];
	_ =	sdelay $0x3  }
0x9a: {  	_ =	strace s4  }
0x9b: {  	s4 =	sld [smem:$0x3FFD];
	_ =	sdelay $0x3  }
0x9c: {  	_ =	strace s4  }
0x9d: {  	_ =	strace $0x8FFFFFFF  }
0x9e: {  	s19 =	sld [smem:$0x3FDB];
	_ =	sdelay $0x1  }
0x9f: {  	s5 =	simm.s32 $_scs_section_size  }
0xa0: {  	s6 =	simm.s32 $_size__tile_overlayer_lowered;
	s7 =	simm.s32 $_tile_overlayer_lowered  }
0xa1: {  	s22 =	simm.s32 $0x1BFF;
	s21 =	sshll.u32 s7, $0x1;
	s4 =	sadd.s32 s5, s19  }
0xa2: {  	s8 =	simm.s32 $0x0;
	s20 =	sshll.u32 s6, $0x1;
	s6 =	sadd.s32 s21, s4  }
0xa3: {  	[timem:s8], [sflag:s22] =	dma.local [hbm:s6], s20  }
0xa4: {  	_ =	swait.ge [sflag:s22], s20  }
0xa5: {  	s5 =	ssub.s32 $0x0, s20;
	[sflag:s22] =	ssyncset.done $0x0  }
0xa6: {  	[sflag:s22] =	ssyncadd.s32 s5;
	_ =	sdelay $0x1  }
0xa7: {  	s23 =	simm.s32 $0x1B8B  }
0xa8: {  	_ =	swait.ge [sflag:s23], $0x1  }
0xa9: {  	[sflag:s23] =	ssyncset.done $0x0  }
0xaa: {  	s25 =	simm.s32 $0x1B8E;
	s24 =	sld [smem:$0x3FFE];
	[sflag:s23] =	ssyncadd.s32 $0xFFFFFFFF  }
0xab: {  	s26 =	simm.s32 $execute0_lowered;
	[smem:$0x3FD2] =	sst s25  }
0xac: {  	s6 =	sshll.u32 s26, $0x1;
	_ =	strace $0x80000049;
	[dreg:$0x1] =	wrdreg $0xFFFFFFFF  }
0xad: {  	s28 =	simm.s32 $_size_execute0_lowered;
	s4 =	sadd.s32 s4, s6;
	[dreg:$0x0] =	wrdreg $0x0  }
0xae: {  	s6 =	sshll.u32 s28, $0x1;
	[dreg:$0x2] =	wrdreg s4  }
0xaf: {  	[dreg:$0x3] =	wrdreg s6  }
0xb0: {  	[dreg:$0x4] =	wrdreg $0xC0  }
0xb1: {  	_ =	task [dreg:s8], $0x5FFFF  }
0xb2: {  	[dreg:$0x1] =	wrdreg $0xFFFFFFFF  }
0xb3: {  	[dreg:$0x0] =	wrdreg $0x60  }
0xb4: {  	[dreg:$0x2] =	wrdreg s24  }
0xb5: {  	[dreg:$0x3] =	wrdreg s16  }
0xb6: {  	[dreg:$0x4] =	wrdreg s17  }
0xb7: {  	[dreg:$0x5] =	wrdreg $0x9  }
0xb8: {  	_ =	task.clear_ibuf [dreg:s8], $0x6FFFF;
	_ =	strace $0x90000049  }
0xb9: {  	s29 =	simm.s32 $0x9;
	_ =	strace $0x8000004B  }
0xba: {  	_ =	swait.ge [sflag:s29], $0x1  }
0xbb: {  	[sflag:s29] =	ssyncadd.s32 $0xFFFFFFFF  }
0xbc: {  	_ =	strace $0x9000004B  }
0xbd: {  	_ =	sfence  }
0xbe: {  	s30 =	sld [smem:$0x0];
	_ =	sdelay $0x2  }
0xbf: {  	s31 =	sshll.u32 s1, $0xD;
	s1 =	sshrl.u32 s1, $0x2  }
0xc0: {  	s3 =	sand.u32 $0x4000, s31;
	s1 =	sadd.s32 s1, s30  }
0xc1: {  	s0 =	sor.u32 s3, s0;
	s1 =	sshll.u32 s1, $0x11  }
0xc2: {  	s0 =	sor.u32 s1, s0  }
0xc3: {  	s0 =	sadd.s32 $0x8F2B, s0  }
0xc4: {  	[sflag:s0] =	ssyncadd.remote.s32 $0x1  }
0xc5: {  	_ =	sfence.sel $0xFFFF  }
0xc6: {  	[dreg:$0x0] =	wrdreg $0xFFFFFFFF;
	(pc) =	sbr.abs _section_cstart, $3  }
0xc7: {  	[dreg:$0x1] =	wrdreg $0xFFFFFFFF  }
0xc8: {  	_ =	task.clear_ibuf [dreg:s8], $0x2FFFF;
	_ =	strace $0x9FFFFFFF  }
0xc9: {  	(tm) =	ssettm $0x7FFFFFFF  }
tec
execute0_lowered:
.L_overlay_start_1:
0x0: {  	(tag) =	ssettag $0x1  }
0x1: {  	s12 =	rddreg [dreg:$0x0];
	s1 =	srdreg.scid  }
0x2: {  	s3 =	rddreg [dreg:$0x1];
	s0 =	stileid.u32;
	s13 =	sand.u32 $0x1, s1  }
0x3: {  	s5 =	rddreg [dreg:$0x2];
	s4 =	sshll.u32 s0, $0x7;
	s6 =	sshll.u32 s13, $0x6  }
0x4: {  	s2 =	simm.s32 $0x0;
	s1 =	rddreg [dreg:$0x3];
	s14 =	sor.u32 s6, s4  }
0x5: {  	[smem:$0x7FF] =	sst s2;
	s6 =	sshrl.u32 s14, $0x3  }
0x6: {  	_ =	strace $0x8000004A;
	s4 =	sadd.s32 s3, s6;
	s3 =	simm.s32 $0x3  }
0x7: {  	[tilespmem:s2], [sflag:$0x3] =	stream.linear.gather [hbm4b:s4+s2], $0x40, $0x38;
	[tilespmem:$0x4100] =	vst v63  }
0x8: {  	_ =	swait.ge [sflag:s3], $0x40  }
0x9: {  	[sflag:s3] =	ssyncset.done $0x0  }
0xa: {  	s5 =	sadd.s32 s5, s6;
	s6 =	simm.s32 $0x80;
	[sflag:s3] =	ssyncadd.s32 $0xFFFFFFC0  }
0xb: {  	[tilespmem:s6], [sflag:$0x3] =	stream.linear.gather [hbm4b:s5+s2], $0x40, $0x38;
	[tilespmem:$0x4100] =	vst v63  }
0xc: {  	_ =	swait.ge [sflag:s3], $0x40  }
0xd: {  	s8 =	simm.s32 $0x40;
	[sflag:s3] =	ssyncset.done $0x0  }
0xe: {  	s9 =	simm.s32 $0x100;
	s7 =	sadd.s32 $0x2200, s12;
	[sflag:s3] =	ssyncadd.s32 $0xFFFFFFC0  }
0xf: {  	[tilespmem:s9], [sflag:$0x1] =	stream.indirect.gather [hbm4b:s7+s8], $0x80, s2, s8, $0xb8;
	[tilespmem:$0x4100] =	vst v63  }
0x10: {  	s10 =	simm.s32 $0x2100;
	s11 =	simm.s32 $0x1  }
0x11: {  	[tilespmem:s10], [sflag:$0x2] =	stream.indirect.gather [hbm4b:s7+s8], $0x80, s6, s8, $0xb8;
	[tilespmem:$0x4100] =	vst v63  }
0x12: {  	s14 =	sshll.u32 s14, $0x4;
	_ =	swait.ge [sflag:s11], $0x2000  }
0x13: {  	s14 =	sadd.s32 s14, s12;
	[sflag:s11] =	ssyncset.done $0x0  }
0x14: {  	s15 =	ssub.s32 $0x2, s13;
	s12 =	sadd.s32 $0x16200, s14;
	[sflag:s11] =	ssyncadd.s32 $0xFFFFE000  }
0x15: {  	[hbm4b:s12+s2] =	stream.linear.scatter [tilespmem:s9], [sflag:$0x3], $0x2000, $0x38;
	[tilespmem:$0x4100] =	vst v63  }
0x16: {  	s16 =	sshrl.u32 s15, $0x1;
	_ =	swait.ge [sflag:s3], $0x2000  }
0x17: {  	s15 =	ssub.s32 s15, s16;
	[sflag:s3] =	ssyncset.done $0x0  }
0x18: {  	s13 =	simm.s32 $0x2;
	s15 =	smax.u32 s15, $0x1;
	[sflag:s3] =	ssyncadd.s32 $0xFFFFE000  }
0x19: {  	p0 =	sne.s32 s15, $0x1;
	_ =	swait.ge [sflag:s13], $0x2000  }
.Ltmp0:
0x1a: {  	[sflag:s13] =	ssyncset.done $0x0;
	(pc) =	sbr.rel @!p0 .LBB2_2-.Ltmp0, $4  }
0x1b: {  	s14 =	sadd.s32 $0x1E200, s14;
	[sflag:s13] =	ssyncadd.s32 $0xFFFFE000  }
0x1c: {  	[hbm4b:s14+s2] =	stream.linear.scatter [tilespmem:s10], [sflag:$0x3], $0x2000, $0x38;
	[tilespmem:$0x4100] =	vst v63  }
0x1d: {  	_ =	swait.ge [sflag:s3], $0x2000  }
0x1e: {  	s15 =	sadd.s32 $0xFFFFFFFF, s15;
	[sflag:s3] =	ssyncset.done $0x0  }
.LBB2_1:
0x1f: {  	p0 =	sne.s32 s15, $0x1;
	s15 =	sadd.s32 $0xFFFFFFFF, s15;
	[sflag:s3] =	ssyncadd.s32 $0xFFFFE000  }
0x20: {  	[tilespmem:s2], [sflag:$0x3] =	stream.linear.gather [hbm4b:s4+s2], $0x40, $0x38;
	[tilespmem:$0x4100] =	vst v63  }
0x21: {  	_ =	swait.ge [sflag:s3], $0x40  }
0x22: {  	[sflag:s3] =	ssyncset.done $0x0  }
0x23: {  	[sflag:s3] =	ssyncadd.s32 $0xFFFFFFC0  }
0x24: {  	[tilespmem:s6], [sflag:$0x3] =	stream.linear.gather [hbm4b:s5+s2], $0x40, $0x38;
	[tilespmem:$0x4100] =	vst v63  }
0x25: {  	_ =	swait.ge [sflag:s3], $0x40  }
0x26: {  	[sflag:s3] =	ssyncset.done $0x0  }
0x27: {  	[sflag:s3] =	ssyncadd.s32 $0xFFFFFFC0  }
0x28: {  	[tilespmem:s9], [sflag:$0x1] =	stream.indirect.gather [hbm4b:s7+s8], $0x80, s2, s8, $0xb8;
	[tilespmem:$0x4100] =	vst v63  }
0x29: {  	_ = 	snop  }
0x2a: {  	[tilespmem:s10], [sflag:$0x2] =	stream.indirect.gather [hbm4b:s7+s8], $0x80, s6, s8, $0xb8;
	[tilespmem:$0x4100] =	vst v63  }
0x2b: {  	_ =	swait.ge [sflag:s11], $0x2000  }
0x2c: {  	[sflag:s11] =	ssyncset.done $0x0  }
0x2d: {  	[sflag:s11] =	ssyncadd.s32 $0xFFFFE000  }
0x2e: {  	[hbm4b:s12+s2] =	stream.linear.scatter [tilespmem:s9], [sflag:$0x3], $0x2000, $0x38;
	[tilespmem:$0x4100] =	vst v63  }
0x2f: {  	_ =	swait.ge [sflag:s3], $0x2000  }
0x30: {  	[sflag:s3] =	ssyncset.done $0x0  }
0x31: {  	[sflag:s3] =	ssyncadd.s32 $0xFFFFE000  }
0x32: {  	_ =	swait.ge [sflag:s13], $0x2000  }
.Ltmp1:
0x33: {  	[sflag:s13] =	ssyncset.done $0x0;
	(pc) =	sbr.rel @p0 .LBB2_1-.Ltmp1, $4  }
0x34: {  	[sflag:s13] =	ssyncadd.s32 $0xFFFFE000  }
0x35: {  	[hbm4b:s14+s2] =	stream.linear.scatter [tilespmem:s10], [sflag:$0x3], $0x2000, $0x38;
	[tilespmem:$0x4100] =	vst v63  }
0x36: {  	_ =	swait.ge [sflag:s3], $0x2000  }
0x37: {  	[sflag:s3] =	ssyncset.done $0x0  }
.LBB2_2:
0x38: {  	[sflag:s3] =	ssyncadd.s32 $0xFFFFE000  }
0x39: {  	_ =	sfence.sel $0x180000  }
0x3a: {  	[bflag:$0x0] =	sbarrier.arrive $0xFFFF  }
0x3b: {  	p0 =	sne.s32 s0, $0x0;
	_ =	strace $0x9000004A  }
0x3c: {  	s0 =	sadd.s32 @!p0 $0x100000, s1;
	[bflag:$0x2] =	sbarrier.arrive $0xFFFF  }
0x3d: {  	[sflag:s0] =	ssyncadd.tile.s32 @!p0 $0x1;
	_ =	shalt  }
.Lfunc_end2:
_tile_overlayer_lowered:
.L_overlay_start_2:
0x3e: {  	(tag) =	ssettag $0x2  }
0x3f: {  	s0 =	rddreg [dreg:$0x0];
	s2 =	stileid.u32  }
0x40: {  	s1 =	rddreg [dreg:$0x1];
	p0 =	sne.s32 s2, $0x0  }
0x41: {  	s3 =	rddreg [dreg:$0x2];
	[bflag:$0x3] =	sbarrier.arrive $0xFFFF;
	s2 =	simm.s32 @!p0 $0x1C03  }
0x42: {  	[timem:s3], [sflag:s2] =	dma.local @!p0 [hbm:s0], s1  }
0x43: {  	s0 =	simm.s32 @!p0 $0x3  }
0x44: {  	_ =	swait.ge @!p0 [sflag:s0], s1  }
0x45: {  	s1 =	ssub.s32 @!p0 $0x0, s1;
	[sflag:s0] =	ssyncset.done @!p0 $0x0  }
0x46: {  	[sflag:s0] =	ssyncadd.s32 @!p0 s1  }
0x47: {  	[bflag:$0x3] =	sbarrier.arrive $0xFFFF  }
0x48: {  	_ =	shalt  }

// kernel: kernel.7.cloned.1.call-start
scs
__scs_entry_jumppad:
0x0: {  	(pc) =	sbr.rel $0x88, $3  }
0x1: {  	(tag) =	ssettag $0x0;
	lr =	simm.s32 $0x1  }
0x2: {  	[smem:$0x3F9D] =	sst lr;
	_ =	strace $0xD0000000  }
0x3: {  	_ = 	snop  }
0x4: {  	_ = 	snop  }
0x5: {  	_ = 	snop  }
0x6: {  	_ = 	snop  }
0x7: {  	_ = 	snop  }
__scs_overlays_trampoline_lowered:
0x8: {  	[smem:$0x3FAC] =	sst s0  }
0x9: {  	[smem:$0x3FAD] =	sst s1  }
0xa: {  	[smem:$0x3FAE] =	sst s2  }
0xb: {  	[smem:$0x3FAF] =	sst s3  }
0xc: {  	[smem:$0x3FB0] =	sst s4  }
0xd: {  	[smem:$0x3FB1] =	sst s5  }
0xe: {  	[smem:$0x3FB2] =	sst s6  }
0xf: {  	[smem:$0x3FB3] =	sst s7  }
0x10: {  	[smem:$0x3FB4] =	sst s8  }
0x11: {  	[smem:$0x3FB5] =	sst s9;
	s0 =	simm.s32 @!p0 $0x0  }
0x12: {  	s1 =	sld [smem:$0x3F9B];
	s0 =	simm.s32 @p0 $0x1  }
0x13: {  	[smem:$0x3FB6] =	sst s0;
	s0 =	simm.s32 @!p1 $0x0  }
0x14: {  	s2 =	sld [smem:$0x3F9A];
	s0 =	simm.s32 @p1 $0x1  }
0x15: {  	[smem:$0x3FB7] =	sst s0;
	s0 =	simm.s32 @!p2 $0x0  }
0x16: {  	s3 =	sld [smem:$0x3FDB];
	s0 =	simm.s32 @p2 $0x1  }
0x17: {  	s4 =	simm.s32 $0x1BF5;
	[smem:$0x3FB9] =	sst s0  }
0x18: {  	s0 =	sld [smem:$0x3F9C];
	_ =	swait.ge [sflag:s4], $0x0  }
0x19: {  	s7 =	sld [smem:$0x3F9D]  }
0x1a: {  	s8 =	sadd.s32 $0xFFFFE003, lr  }
0x1b: {  	s9 =	sadd.s32 $0xFFFFFEF7, lr;
	s5 =	simm.s32 $0xFFFFFFFF;
	p2 =	slt.u32 s8, $0xFFFFF086  }
0x1c: {  	p1 =	slt.u32 s9, $0xF7A;
	s5 =	simm.s32 @!p2 $0x0  }
0x1d: {  	s5 =	simm.s32 @p1 $0x1;
	p0 =	seq.s32 s7, s2  }
0x1e: {  	s7 =	smul.u32 @!p0 $0xF7A, s2;
	p2 =	seq.s32 @!p0 s5, $0x0  }
0x1f: {  	s9 =	smul.u32 $0xF7A, s1;
	s8 =	simm.s32 @!p0 $0x1BF5;
	p2 =	por !p2, p0  }
0x20: {  	[sflag:s8] =	ssyncset.s32 @!p0 $0xFFFFF086;
	s6 =	sadd.s32 @!p0 s3, s7;
	s7 =	simm.s32 @!p0 $0x108  }
0x21: {  	s3 =	sadd.s32 s3, s9;
	s6 =	sadd.s32 @!p0 $0x88, s6;
	s7 =	simm.s32 @p2 $0x1082  }
0x22: {  	[simem:s7], [sflag:s8] =	dma.local @!p0 [hbm:s6], $0xF7A  }
0x23: {  	s9 =	sor.u32 $0xD0000000, s2;
	s6 =	simm.s32 $0x108;
	_ =	swait.ge @!p0 [sflag:s8], $0x0  }
0x24: {  	s3 =	sadd.s32 $0x88, s3;
	s6 =	simm.s32 @!p1 $0x1082;
	[sflag:s4] =	ssyncset.s32 $0xFFFFF086  }
0x25: {  	[simem:s6], [sflag:s4] =	dma.local [hbm:s3], $0xF7A  }
0x26: {  	[smem:$0x3F9D] =	sst s1;
	(tag) =	ssettag s2;
	_ =	strace s9  }
0x27: {  	s1 =	sld [smem:$0x3FAD]  }
0x28: {  	s2 =	sld [smem:$0x3FAE]  }
0x29: {  	s4 =	sld [smem:$0x3FB0]  }
0x2a: {  	p0 =	seq.s32 s5, $0x0;
	s5 =	sld [smem:$0x3FB1]  }
0x2b: {  	s6 =	sld [smem:$0x3FB2]  }
0x2c: {  	s7 =	sld [smem:$0x3FB3]  }
0x2d: {  	s3 =	simm.s32 $0x108;
	s8 =	sld [smem:$0x3FB4]  }
0x2e: {  	s3 =	simm.s32 @!p0 $0x1082;
	s9 =	sld [smem:$0x3FB5]  }
0x2f: {  	lr =	sadd.s32 s0, s3;
	s0 =	sld [smem:$0x3FAC]  }
0x30: {  	s3 =	sld [smem:$0x3FAF]  }
0x31: {  	[smem:$0x3FB8] =	sst s10  }
0x32: {  	s10 =	sld [smem:$0x3FB6];
	_ =	sdelay $0x3  }
0x33: {  	p0 =	seq.s32 s10, $0x1;
	s10 =	sld [smem:$0x3FB8];
	_ =	sdelay $0x3  }
0x34: {  	[smem:$0x3FB8] =	sst s10  }
0x35: {  	s10 =	sld [smem:$0x3FB7];
	_ =	sdelay $0x3  }
0x36: {  	p1 =	seq.s32 s10, $0x1;
	s10 =	sld [smem:$0x3FB8];
	_ =	sdelay $0x3  }
0x37: {  	[smem:$0x3FB8] =	sst s10  }
0x38: {  	s10 =	sld [smem:$0x3FB9]  }
0x39: {  	_ = 	snop;
	(pc) =	sbr.ind lr, $3  }
0x3a: {  	_ = 	snop  }
0x3b: {  	_ = 	snop  }
0x3c: {  	p2 =	seq.s32 s10, $0x1;
	s10 =	sld [smem:$0x3FB8]  }
0x3d: {  	_ =	shalt  }
0x3e: {  	_ =	shalt  }
0x3f: {  	_ =	shalt  }
0x40: {  	_ =	shalt  }
0x41: {  	_ =	shalt  }
0x42: {  	_ =	shalt  }
0x43: {  	_ =	shalt  }
0x44: {  	_ =	shalt  }
0x45: {  	_ =	shalt  }
0x46: {  	_ =	shalt  }
0x47: {  	_ =	shalt  }
0x48: {  	_ =	shalt  }
0x49: {  	_ =	shalt  }
0x4a: {  	_ =	shalt  }
0x4b: {  	_ =	shalt  }
0x4c: {  	_ =	shalt  }
0x4d: {  	_ =	shalt  }
0x4e: {  	_ =	shalt  }
0x4f: {  	_ =	shalt  }
0x50: {  	_ =	shalt  }
0x51: {  	_ =	shalt  }
0x52: {  	_ =	shalt  }
0x53: {  	_ =	shalt  }
0x54: {  	_ =	shalt  }
0x55: {  	_ =	shalt  }
0x56: {  	_ =	shalt  }
0x57: {  	_ =	shalt  }
0x58: {  	_ =	shalt  }
0x59: {  	_ =	shalt  }
0x5a: {  	_ =	shalt  }
0x5b: {  	_ =	shalt  }
0x5c: {  	_ =	shalt  }
0x5d: {  	_ =	shalt  }
0x5e: {  	_ =	shalt  }
0x5f: {  	_ =	shalt  }
0x60: {  	_ =	shalt  }
0x61: {  	_ =	shalt  }
0x62: {  	_ =	shalt  }
0x63: {  	_ =	shalt  }
0x64: {  	_ =	shalt  }
0x65: {  	_ =	shalt  }
0x66: {  	_ =	shalt  }
0x67: {  	_ =	shalt  }
0x68: {  	_ =	shalt  }
0x69: {  	_ =	shalt  }
0x6a: {  	_ =	shalt  }
0x6b: {  	_ =	shalt  }
0x6c: {  	_ =	shalt  }
0x6d: {  	_ =	shalt  }
0x6e: {  	_ =	shalt  }
0x6f: {  	_ =	shalt  }
0x70: {  	_ =	shalt  }
0x71: {  	_ =	shalt  }
0x72: {  	_ =	shalt  }
0x73: {  	_ =	shalt  }
0x74: {  	_ =	shalt  }
0x75: {  	_ =	shalt  }
0x76: {  	_ =	shalt  }
0x77: {  	_ =	shalt  }
0x78: {  	_ =	shalt  }
0x79: {  	_ =	shalt  }
0x7a: {  	_ =	shalt  }
0x7b: {  	_ =	shalt  }
0x7c: {  	_ =	shalt  }
0x7d: {  	_ =	shalt  }
0x7e: {  	_ =	shalt  }
0x7f: {  	_ =	shalt  }
0x80: {  	_ =	shalt  }
0x81: {  	_ =	shalt  }
0x82: {  	_ =	shalt  }
0x83: {  	_ =	shalt  }
0x84: {  	_ =	shalt  }
0x85: {  	_ =	shalt  }
0x86: {  	_ =	shalt  }
0x87: {  	_ =	shalt  }
.Lfunc_end0:
.L_simem_size_0:
called_computation_lowered:
.L_overlay_start_0:
0x88: {  	s2 =	sld [smem:$0x3FD9]  }
0x89: {  	s3 =	sld [smem:$0x3FFE];
	_ =	sdelay $0x1  }
0x8a: {  	s1 =	srdreg.scid  }
0x8b: {  	s0 =	sand.u32 $0x1, s1  }
0x8c: {  	s14 =	sshll.u32 s0, $0xA;
	s2 =	sadd.s32 s3, s2  }
0x8d: {  	s2 =	sadd.s32 s2, s14  }
0x8e: {  	[smem:$0x3FC4] =	sst s2  }
0x8f: {  	_ = 	snop  }
0x90: {  	s2 =	sld [smem:$0x3FD0];
	_ =	sdelay $0x2  }
0x91: {  	s4 =	simm.s32 $0xA;
	s5 =	simm.s32 $0x10;
	s15 =	sld [smem:$0x3FC9]  }
0x92: {  	[smem:s5], [sflag:s4] =	dma.local [hbm:s2], $0x1  }
0x93: {  	_ =	swait.eq [sflag:s4], $0x1  }
0x94: {  	[sflag:s4] =	ssyncset.done $0x0  }
0x95: {  	s16 =	sld [smem:$0x10];
	[sflag:s4] =	ssyncadd.s32 $0xFFFFFFFF  }
0x96: {  	s17 =	sld [smem:$0x11];
	(tm) =	ssettm $0x1  }
0x97: {  	s18 =	sld [smem:$0x3FFB];
	_ =	sdelay $0x3  }
0x98: {  	_ =	strace s18  }
0x99: {  	s5 =	sld [smem:$0x3FFC];
	_ =	sdelay $0x3  }
0x9a: {  	_ =	strace s5  }
0x9b: {  	s5 =	sld [smem:$0x3FFD];
	_ =	sdelay $0x3  }
0x9c: {  	_ =	strace s5  }
0x9d: {  	_ =	strace $0x8FFFFFFF  }
0x9e: {  	s19 =	sld [smem:$0x3FDB];
	_ =	sdelay $0x1  }
0x9f: {  	s6 =	simm.s32 $_scs_section_size  }
0xa0: {  	s7 =	simm.s32 $_size__tile_overlayer_lowered;
	s8 =	simm.s32 $_tile_overlayer_lowered  }
0xa1: {  	s22 =	simm.s32 $0x1BFF;
	s21 =	sshll.u32 s8, $0x1;
	s5 =	sadd.s32 s6, s19  }
0xa2: {  	s9 =	simm.s32 $0x0;
	s20 =	sshll.u32 s7, $0x1;
	s7 =	sadd.s32 s21, s5  }
0xa3: {  	[timem:s9], [sflag:s22] =	dma.local [hbm:s7], s20  }
0xa4: {  	_ =	swait.ge [sflag:s22], s20  }
0xa5: {  	s6 =	ssub.s32 $0x0, s20;
	[sflag:s22] =	ssyncset.done $0x0  }
0xa6: {  	[sflag:s22] =	ssyncadd.s32 s6;
	_ =	sdelay $0x1  }
0xa7: {  	s23 =	simm.s32 $0x1B8B  }
0xa8: {  	_ =	swait.ge [sflag:s23], $0x1  }
0xa9: {  	[sflag:s23] =	ssyncset.done $0x0  }
0xaa: {  	s25 =	simm.s32 $0x1B8E;
	s24 =	sld [smem:$0x3FFE];
	[sflag:s23] =	ssyncadd.s32 $0xFFFFFFFF  }
0xab: {  	s26 =	simm.s32 $execute0_lowered;
	[smem:$0x3FD2] =	sst s25  }
0xac: {  	s7 =	sshll.u32 s26, $0x1;
	_ =	strace $0x80000046;
	[dreg:$0x1] =	wrdreg $0xFFFFFFFF  }
0xad: {  	s28 =	simm.s32 $_size_execute0_lowered;
	s5 =	sadd.s32 s5, s7;
	[dreg:$0x0] =	wrdreg $0x0  }
0xae: {  	s7 =	sshll.u32 s28, $0x1;
	[dreg:$0x2] =	wrdreg s5  }
0xaf: {  	[dreg:$0x3] =	wrdreg s7  }
0xb0: {  	[dreg:$0x4] =	wrdreg $0xC0  }
0xb1: {  	_ =	task [dreg:s9], $0x5FFFF  }
0xb2: {  	[dreg:$0x1] =	wrdreg $0xFFFFFFFF  }
0xb3: {  	[dreg:$0x0] =	wrdreg $0x60  }
0xb4: {  	[dreg:$0x2] =	wrdreg s15  }
0xb5: {  	[dreg:$0x3] =	wrdreg s16  }
0xb6: {  	[dreg:$0x4] =	wrdreg s17  }
0xb7: {  	[dreg:$0x5] =	wrdreg s24  }
0xb8: {  	[dreg:$0x6] =	wrdreg $0x9  }
0xb9: {  	_ =	task.clear_ibuf [dreg:s9], $0x7FFFF;
	_ =	strace $0x90000046  }
0xba: {  	s29 =	simm.s32 $0x9;
	_ =	strace $0x80000048  }
0xbb: {  	_ =	swait.ge [sflag:s29], $0x1  }
0xbc: {  	[sflag:s29] =	ssyncadd.s32 $0xFFFFFFFF  }
0xbd: {  	_ =	strace $0x90000048  }
0xbe: {  	_ =	sfence  }
0xbf: {  	s30 =	sld [smem:$0x0];
	_ =	sdelay $0x2  }
0xc0: {  	s31 =	sshll.u32 s1, $0xD;
	s1 =	sshrl.u32 s1, $0x2  }
0xc1: {  	s3 =	sand.u32 $0x4000, s31;
	s1 =	sadd.s32 s1, s30  }
0xc2: {  	s0 =	sor.u32 s3, s0;
	s1 =	sshll.u32 s1, $0x11  }
0xc3: {  	s0 =	sor.u32 s1, s0  }
0xc4: {  	s0 =	sadd.s32 $0x8F2B, s0  }
0xc5: {  	[sflag:s0] =	ssyncadd.remote.s32 $0x1  }
0xc6: {  	_ =	sfence.sel $0xFFFF  }
0xc7: {  	[dreg:$0x0] =	wrdreg $0xFFFFFFFF;
	(pc) =	sbr.abs _section_cstart, $3  }
0xc8: {  	[dreg:$0x1] =	wrdreg $0xFFFFFFFF  }
0xc9: {  	_ =	task.clear_ibuf [dreg:s9], $0x2FFFF;
	_ =	strace $0x9FFFFFFF  }
0xca: {  	(tm) =	ssettm $0x7FFFFFFF  }
0xcb: {  	_ =	shalt  }
tec
execute0_lowered:
.L_overlay_start_1:
0x0: {  	(tag) =	ssettag $0x1  }
0x1: {  	s0 =	rddreg [dreg:$0x0]  }
0x2: {  	s1 =	rddreg [dreg:$0x1]  }
0x3: {  	s6 =	rddreg [dreg:$0x2]  }
0x4: {  	s7 =	rddreg [dreg:$0x3]  }
0x5: {  	s2 =	srdreg.scid;
	s4 =	stileid.u32  }
0x6: {  	s25 =	simm.s32 $0x80;
	s26 =	simm.s32 $0x100;
	s28 =	simm.s32 $0x180  }
0x7: {  	s15 =	simm.s32 $0xEA00;
	s16 =	simm.s32 $0xF200;
	s17 =	simm.s32 $0xFA00  }
0x8: {  	s29 =	simm.s32 $0x3200;
	s30 =	simm.s32 $0x3A00;
	s31 =	simm.s32 $0x4200  }
0x9: {  	s3 =	sand.u32 $0x1, s2;
	s2 =	simm.s32 $0x0;
	s4 =	sshll.u32 s4, $0x7  }
0xa: {  	s5 =	sshll.u32 s3, $0x6;
	[smem:$0x7FF] =	sst s2;
	s18 =	ssub.s32 $0x2, s3  }
0xb: {  	s3 =	sadd.s32 $0x2200, s7;
	_ =	strace $0x80000047;
	[dreg:$0xb] =	wrdreg s25  }
0xc: {  	s4 =	sor.u32 s5, s4;
	s9 =	sshrl.u32 s18, $0x1;
	[dreg:$0xc] =	wrdreg s26  }
0xd: {  	s5 =	sadd.s32 $0x2400, s7;
	[dreg:$0xd] =	wrdreg s28;
	s25 =	simm.s32 $0x8200  }
0xe: {  	s8 =	sshrl.u32 s4, $0x3;
	s19 =	sshll.u32 s4, $0x7;
	s21 =	sor.u32 $0x20, s4  }
0xf: {  	s9 =	ssub.s32 s18, s9;
	s4 =	sadd.s32 $0x2300, s7;
	s18 =	simm.s32 $0x1  }
0x10: {  	s10 =	sadd.s32 s1, s8;
	s8 =	sadd.s32 s6, s8;
	s20 =	sadd.s32 s0, s19  }
0x11: {  	s22 =	sshrl.u32 s21, $0x3;
	s24 =	sshll.u32 s21, $0x7;
	[dreg:$0x5] =	wrdreg s10  }
0x12: {  	s19 =	simm.s32 $0x2;
	s21 =	simm.s32 $0x4;
	[dreg:$0x6] =	wrdreg s8  }
0x13: {  	[dreg:$0x7] =	wrdreg s20;
	s1 =	sadd.s32 s1, s22;
	s23 =	sadd.s32 s6, s22  }
0x14: {  	v2 =	vlaneseq.u32;
	s6 =	sadd.s32 $0x2500, s7;
	s0 =	sadd.s32 s0, s24;
	[dreg:$0x8] =	wrdreg s1  }
0x15: {  	vm0 =	vmmov $0xffff;
	v1 =	vshrl.u32 v2, $0x3;
	s7 =	smax.u32 s9, $0x1;
	s8 =	simm.s32 $0x5;
	[dreg:$0x9] =	wrdreg s23  }
0x16: {  	v0 =	vand.u32 $0x7, v2;
	v2 =	vor.u32 $0x8, v2;
	v1 =	vmul.u32 $0x8, v1;
	s9 =	simm.s32 $0x200;
	s20 =	simm.s32 $0x3;
	[dreg:$0xa] =	wrdreg s0  }
.LBB2_1:
0x17: {  	s22 =	rddreg [dreg:$0x5]  }
0x18: {  	[tilespmem:s2], [sflag:$0x5] =	stream.linear.gather [hbm4b:s22+s2], $0x20, $0x38;
	[tilespmem:$0x10200] =	vst v63  }
0x19: {  	_ =	swait.ge [sflag:s8], $0x20  }
0x1a: {  	s10 =	rddreg [dreg:$0x6];
	[sflag:s8] =	ssyncset.done $0x0  }
0x1b: {  	s23 =	rddreg [dreg:$0xb];
	[sflag:s8] =	ssyncadd.s32 $0xFFFFFFE0  }
0x1c: {  	[tilespmem:s23], [sflag:$0x5] =	stream.linear.gather [hbm4b:s10+s2], $0x20, $0x38;
	[tilespmem:$0x10200] =	vst v63  }
0x1d: {  	_ =	swait.ge [sflag:s8], $0x20  }
0x1e: {  	[sflag:s8] =	ssyncset.done $0x0  }
0x1f: {  	s11 =	rddreg [dreg:$0x7];
	[sflag:s8] =	ssyncadd.s32 $0xFFFFFFE0  }
0x20: {  	[tilespmem:s9], [sflag:$0x5] =	stream.linear.gather [hbm4b:s11+s2], $0x8000, $0x38;
	[tilespmem:$0x10200] =	vst v63  }
0x21: {  	_ =	swait.ge [sflag:s8], $0x8000  }
0x22: {  	[sflag:s8] =	ssyncset.done $0x0  }
0x23: {  	[sflag:s8] =	ssyncadd.s32 $0xFFFF8000  }
0x24: {  	v3 =	vld [tilespmem:$0x0];
	_ =	sdelay $0x4  }
0x25: {  	v4 =	vshll.u32 v3, $0x3  }
0x26: {  	v3 =	vand.u32 $0x7, v3;
	v4 =	vand.u32 $0xFFFFFFC0, v4  }
0x27: {  	v3 =	vor.u32 v3, v4  }
0x28: {  	v4 =	vperm.xlane v3, v0;
	_ =	sdelay $0x1  }
0x29: {  	v4 =	vadd.s32 v1, v4;
	_ =	sdelay $0x4  }
0x2a: {  	[hbm4b:s3+s2] =	stream.indirect_vreg.scatter [tilespmem:s9], [sflag:$0x1], $0x80, v4, vm0, $0xb8;
	[tilespmem:$0x10200] =	vst v63  }
0x2b: {  	s22 =	simm.s32 $0xA00;
	v3 =	vperm.xlane v3, v2  }
0x2c: {  	[hbm4b:s4+s2] =	stream.indirect_vreg.scatter [tilespmem:s22], [sflag:$0x1], $0x80, v4, vm0, $0xb8;
	[tilespmem:$0x10200] =	vst v63  }
0x2d: {  	s23 =	simm.s32 $0x1200;
	v3 =	vadd.s32 v1, v3  }
0x2e: {  	[hbm4b:s5+s2] =	stream.indirect_vreg.scatter [tilespmem:s23], [sflag:$0x1], $0x80, v4, vm0, $0xb8;
	[tilespmem:$0x10200] =	vst v63  }
0x2f: {  	s24 =	simm.s32 $0x1A00  }
0x30: {  	[hbm4b:s6+s2] =	stream.indirect_vreg.scatter [tilespmem:s24], [sflag:$0x1], $0x80, v4, vm0, $0xb8;
	[tilespmem:$0x10200] =	vst v63  }
0x31: {  	s26 =	simm.s32 $0x2200  }
0x32: {  	[hbm4b:s3+s2] =	stream.indirect_vreg.scatter [tilespmem:s26], [sflag:$0x1], $0x80, v3, vm0, $0xb8;
	[tilespmem:$0x10200] =	vst v63  }
0x33: {  	s28 =	simm.s32 $0x2A00  }
0x34: {  	[hbm4b:s4+s2] =	stream.indirect_vreg.scatter [tilespmem:s28], [sflag:$0x1], $0x80, v3, vm0, $0xb8;
	[tilespmem:$0x10200] =	vst v63  }
0x35: {  	_ = 	snop  }
0x36: {  	[hbm4b:s5+s2] =	stream.indirect_vreg.scatter [tilespmem:s29], [sflag:$0x1], $0x80, v3, vm0, $0xb8;
	[tilespmem:$0x10200] =	vst v63  }
0x37: {  	_ = 	snop  }
0x38: {  	[hbm4b:s6+s2] =	stream.indirect_vreg.scatter [tilespmem:s30], [sflag:$0x1], $0x80, v3, vm0, $0xb8;
	[tilespmem:$0x10200] =	vst v63  }
0x39: {  	v3 =	vld [tilespmem:$0x10];
	_ =	sdelay $0x4  }
0x3a: {  	v57 =	vshll.u32 v3, $0x3  }
0x3b: {  	v3 =	vand.u32 $0x7, v3;
	v4 =	vand.u32 $0xFFFFFFC0, v57  }
0x3c: {  	v3 =	vor.u32 v3, v4  }
0x3d: {  	v4 =	vperm.xlane v3, v0;
	_ =	sdelay $0x1  }
0x3e: {  	v4 =	vadd.s32 v1, v4;
	_ =	sdelay $0x4  }
0x3f: {  	[hbm4b:s3+s2] =	stream.indirect_vreg.scatter [tilespmem:s31], [sflag:$0x1], $0x80, v4, vm0, $0xb8;
	[tilespmem:$0x10200] =	vst v63  }
0x40: {  	s0 =	simm.s32 $0x4A00;
	v3 =	vperm.xlane v3, v2  }
0x41: {  	[hbm4b:s4+s2] =	stream.indirect_vreg.scatter [tilespmem:s0], [sflag:$0x1], $0x80, v4, vm0, $0xb8;
	[tilespmem:$0x10200] =	vst v63  }
0x42: {  	s1 =	simm.s32 $0x5200;
	v3 =	vadd.s32 v1, v3  }
0x43: {  	[hbm4b:s5+s2] =	stream.indirect_vreg.scatter [tilespmem:s1], [sflag:$0x1], $0x80, v4, vm0, $0xb8;
	[tilespmem:$0x10200] =	vst v63  }
0x44: {  	s10 =	simm.s32 $0x5A00  }
0x45: {  	[hbm4b:s6+s2] =	stream.indirect_vreg.scatter [tilespmem:s10], [sflag:$0x1], $0x80, v4, vm0, $0xb8;
	[tilespmem:$0x10200] =	vst v63  }
0x46: {  	s11 =	simm.s32 $0x6200  }
0x47: {  	[hbm4b:s3+s2] =	stream.indirect_vreg.scatter [tilespmem:s11], [sflag:$0x1], $0x80, v3, vm0, $0xb8;
	[tilespmem:$0x10200] =	vst v63  }
0x48: {  	s12 =	simm.s32 $0x6A00  }
0x49: {  	[hbm4b:s4+s2] =	stream.indirect_vreg.scatter [tilespmem:s12], [sflag:$0x1], $0x80, v3, vm0, $0xb8;
	[tilespmem:$0x10200] =	vst v63  }
0x4a: {  	s13 =	simm.s32 $0x7200  }
0x4b: {  	[hbm4b:s5+s2] =	stream.indirect_vreg.scatter [tilespmem:s13], [sflag:$0x1], $0x80, v3, vm0, $0xb8;
	[tilespmem:$0x10200] =	vst v63  }
0x4c: {  	s14 =	simm.s32 $0x7A00  }
0x4d: {  	[hbm4b:s6+s2] =	stream.indirect_vreg.scatter [tilespmem:s14], [sflag:$0x1], $0x80, v3, vm0, $0xb8;
	[tilespmem:$0x10200] =	vst v63  }
0x4e: {  	v3 =	vld [tilespmem:$0x80];
	_ =	sdelay $0x4  }
0x4f: {  	v58 =	vshll.u32 v3, $0x3  }
0x50: {  	v3 =	vand.u32 $0x7, v3;
	v4 =	vand.u32 $0xFFFFFFC0, v58  }
0x51: {  	v3 =	vor.u32 v3, v4  }
0x52: {  	v4 =	vperm.xlane v3, v0;
	_ =	sdelay $0x1  }
0x53: {  	v4 =	vadd.s32 v1, v4;
	_ =	sdelay $0x4  }
0x54: {  	[hbm4b:s3+s2] =	stream.indirect_vreg.scatter [tilespmem:s9], [sflag:$0x2], $0x80, v4, vm0, $0xb8;
	[tilespmem:$0x10200] =	vst v63  }
0x55: {  	v3 =	vperm.xlane v3, v2  }
0x56: {  	[hbm4b:s4+s2] =	stream.indirect_vreg.scatter [tilespmem:s22], [sflag:$0x2], $0x80, v4, vm0, $0xb8;
	[tilespmem:$0x10200] =	vst v63  }
0x57: {  	v3 =	vadd.s32 v1, v3  }
0x58: {  	[hbm4b:s5+s2] =	stream.indirect_vreg.scatter [tilespmem:s23], [sflag:$0x2], $0x80, v4, vm0, $0xb8;
	[tilespmem:$0x10200] =	vst v63  }
0x59: {  	_ = 	snop  }
0x5a: {  	[hbm4b:s6+s2] =	stream.indirect_vreg.scatter [tilespmem:s24], [sflag:$0x2], $0x80, v4, vm0, $0xb8;
	[tilespmem:$0x10200] =	vst v63  }
0x5b: {  	_ = 	snop  }
0x5c: {  	[hbm4b:s3+s2] =	stream.indirect_vreg.scatter [tilespmem:s26], [sflag:$0x2], $0x80, v3, vm0, $0xb8;
	[tilespmem:$0x10200] =	vst v63  }
0x5d: {  	_ = 	snop  }
0x5e: {  	[hbm4b:s4+s2] =	stream.indirect_vreg.scatter [tilespmem:s28], [sflag:$0x2], $0x80, v3, vm0, $0xb8;
	[tilespmem:$0x10200] =	vst v63  }
0x5f: {  	_ = 	snop  }
0x60: {  	[hbm4b:s5+s2] =	stream.indirect_vreg.scatter [tilespmem:s29], [sflag:$0x2], $0x80, v3, vm0, $0xb8;
	[tilespmem:$0x10200] =	vst v63  }
0x61: {  	_ = 	snop  }
0x62: {  	[hbm4b:s6+s2] =	stream.indirect_vreg.scatter [tilespmem:s30], [sflag:$0x2], $0x80, v3, vm0, $0xb8;
	[tilespmem:$0x10200] =	vst v63  }
0x63: {  	v3 =	vld [tilespmem:$0x90];
	_ =	sdelay $0x4  }
0x64: {  	v59 =	vshll.u32 v3, $0x3  }
0x65: {  	v3 =	vand.u32 $0x7, v3;
	v4 =	vand.u32 $0xFFFFFFC0, v59  }
0x66: {  	v3 =	vor.u32 v3, v4  }
0x67: {  	v4 =	vperm.xlane v3, v0;
	_ =	sdelay $0x1  }
0x68: {  	v4 =	vadd.s32 v1, v4;
	_ =	sdelay $0x4  }
0x69: {  	[hbm4b:s3+s2] =	stream.indirect_vreg.scatter [tilespmem:s31], [sflag:$0x2], $0x80, v4, vm0, $0xb8;
	[tilespmem:$0x10200] =	vst v63  }
0x6a: {  	v3 =	vperm.xlane v3, v2  }
0x6b: {  	[hbm4b:s4+s2] =	stream.indirect_vreg.scatter [tilespmem:s0], [sflag:$0x2], $0x80, v4, vm0, $0xb8;
	[tilespmem:$0x10200] =	vst v63  }
0x6c: {  	v3 =	vadd.s32 v1, v3  }
0x6d: {  	[hbm4b:s5+s2] =	stream.indirect_vreg.scatter [tilespmem:s1], [sflag:$0x2], $0x80, v4, vm0, $0xb8;
	[tilespmem:$0x10200] =	vst v63  }
0x6e: {  	_ = 	snop  }
0x6f: {  	[hbm4b:s6+s2] =	stream.indirect_vreg.scatter [tilespmem:s10], [sflag:$0x2], $0x80, v4, vm0, $0xb8;
	[tilespmem:$0x10200] =	vst v63  }
0x70: {  	_ = 	snop  }
0x71: {  	[hbm4b:s3+s2] =	stream.indirect_vreg.scatter [tilespmem:s11], [sflag:$0x2], $0x80, v3, vm0, $0xb8;
	[tilespmem:$0x10200] =	vst v63  }
0x72: {  	_ = 	snop  }
0x73: {  	[hbm4b:s4+s2] =	stream.indirect_vreg.scatter [tilespmem:s12], [sflag:$0x2], $0x80, v3, vm0, $0xb8;
	[tilespmem:$0x10200] =	vst v63  }
0x74: {  	_ = 	snop  }
0x75: {  	[hbm4b:s5+s2] =	stream.indirect_vreg.scatter [tilespmem:s13], [sflag:$0x2], $0x80, v3, vm0, $0xb8;
	[tilespmem:$0x10200] =	vst v63  }
0x76: {  	s12 =	rddreg [dreg:$0x8]  }
0x77: {  	[hbm4b:s6+s2] =	stream.indirect_vreg.scatter [tilespmem:s14], [sflag:$0x2], $0x80, v3, vm0, $0xb8;
	[tilespmem:$0x10200] =	vst v63  }
0x78: {  	s13 =	rddreg [dreg:$0xc]  }
0x79: {  	[tilespmem:s13], [sflag:$0x5] =	stream.linear.gather [hbm4b:s12+s2], $0x20, $0x38;
	[tilespmem:$0x10200] =	vst v63  }
0x7a: {  	_ =	swait.ge [sflag:s8], $0x20  }
0x7b: {  	s24 =	rddreg [dreg:$0x9];
	[sflag:s8] =	ssyncset.done $0x0  }
0x7c: {  	s26 =	rddreg [dreg:$0xd];
	[sflag:s8] =	ssyncadd.s32 $0xFFFFFFE0  }
0x7d: {  	[tilespmem:s26], [sflag:$0x5] =	stream.linear.gather [hbm4b:s24+s2], $0x20, $0x38;
	[tilespmem:$0x10200] =	vst v63  }
0x7e: {  	_ =	swait.ge [sflag:s8], $0x20  }
0x7f: {  	[sflag:s8] =	ssyncset.done $0x0  }
0x80: {  	s28 =	rddreg [dreg:$0xa];
	[sflag:s8] =	ssyncadd.s32 $0xFFFFFFE0  }
0x81: {  	[tilespmem:s25], [sflag:$0x5] =	stream.linear.gather [hbm4b:s28+s2], $0x8000, $0x38;
	[tilespmem:$0x10200] =	vst v63  }
0x82: {  	_ =	swait.ge [sflag:s8], $0x8000  }
0x83: {  	[sflag:s8] =	ssyncset.done $0x0  }
0x84: {  	[sflag:s8] =	ssyncadd.s32 $0xFFFF8000  }
0x85: {  	v3 =	vld [tilespmem:$0x100];
	_ =	sdelay $0x4  }
0x86: {  	v60 =	vshll.u32 v3, $0x3  }
0x87: {  	v3 =	vand.u32 $0x7, v3;
	v4 =	vand.u32 $0xFFFFFFC0, v60  }
0x88: {  	v3 =	vor.u32 v3, v4  }
0x89: {  	v4 =	vperm.xlane v3, v0;
	_ =	sdelay $0x1  }
0x8a: {  	v4 =	vadd.s32 v1, v4;
	_ =	sdelay $0x4  }
0x8b: {  	[hbm4b:s3+s2] =	stream.indirect_vreg.scatter [tilespmem:s25], [sflag:$0x3], $0x80, v4, vm0, $0xb8;
	[tilespmem:$0x10200] =	vst v63  }
0x8c: {  	s0 =	simm.s32 $0x8A00;
	v3 =	vperm.xlane v3, v2  }
0x8d: {  	[hbm4b:s4+s2] =	stream.indirect_vreg.scatter [tilespmem:s0], [sflag:$0x3], $0x80, v4, vm0, $0xb8;
	[tilespmem:$0x10200] =	vst v63  }
0x8e: {  	s1 =	simm.s32 $0x9200;
	v3 =	vadd.s32 v1, v3  }
0x8f: {  	[hbm4b:s5+s2] =	stream.indirect_vreg.scatter [tilespmem:s1], [sflag:$0x3], $0x80, v4, vm0, $0xb8;
	[tilespmem:$0x10200] =	vst v63  }
0x90: {  	s10 =	simm.s32 $0x9A00  }
0x91: {  	[hbm4b:s6+s2] =	stream.indirect_vreg.scatter [tilespmem:s10], [sflag:$0x3], $0x80, v4, vm0, $0xb8;
	[tilespmem:$0x10200] =	vst v63  }
0x92: {  	s11 =	simm.s32 $0xA200  }
0x93: {  	[hbm4b:s3+s2] =	stream.indirect_vreg.scatter [tilespmem:s11], [sflag:$0x3], $0x80, v3, vm0, $0xb8;
	[tilespmem:$0x10200] =	vst v63  }
0x94: {  	s12 =	simm.s32 $0xAA00  }
0x95: {  	[hbm4b:s4+s2] =	stream.indirect_vreg.scatter [tilespmem:s12], [sflag:$0x3], $0x80, v3, vm0, $0xb8;
	[tilespmem:$0x10200] =	vst v63  }
0x96: {  	s13 =	simm.s32 $0xB200  }
0x97: {  	[hbm4b:s5+s2] =	stream.indirect_vreg.scatter [tilespmem:s13], [sflag:$0x3], $0x80, v3, vm0, $0xb8;
	[tilespmem:$0x10200] =	vst v63  }
0x98: {  	s14 =	simm.s32 $0xBA00  }
0x99: {  	[hbm4b:s6+s2] =	stream.indirect_vreg.scatter [tilespmem:s14], [sflag:$0x3], $0x80, v3, vm0, $0xb8;
	[tilespmem:$0x10200] =	vst v63  }
0x9a: {  	v3 =	vld [tilespmem:$0x110];
	_ =	sdelay $0x4  }
0x9b: {  	v61 =	vshll.u32 v3, $0x3  }
0x9c: {  	v3 =	vand.u32 $0x7, v3;
	v4 =	vand.u32 $0xFFFFFFC0, v61  }
0x9d: {  	v3 =	vor.u32 v3, v4  }
0x9e: {  	v4 =	vperm.xlane v3, v0;
	_ =	sdelay $0x1  }
0x9f: {  	v4 =	vadd.s32 v1, v4;
	_ =	sdelay $0x3  }
0xa0: {  	s22 =	simm.s32 $0xC200  }
0xa1: {  	[hbm4b:s3+s2] =	stream.indirect_vreg.scatter [tilespmem:s22], [sflag:$0x3], $0x80, v4, vm0, $0xb8;
	[tilespmem:$0x10200] =	vst v63  }
0xa2: {  	s23 =	simm.s32 $0xCA00;
	v3 =	vperm.xlane v3, v2  }
0xa3: {  	[hbm4b:s4+s2] =	stream.indirect_vreg.scatter [tilespmem:s23], [sflag:$0x3], $0x80, v4, vm0, $0xb8;
	[tilespmem:$0x10200] =	vst v63  }
0xa4: {  	s24 =	simm.s32 $0xD200;
	v3 =	vadd.s32 v1, v3  }
0xa5: {  	[hbm4b:s5+s2] =	stream.indirect_vreg.scatter [tilespmem:s24], [sflag:$0x3], $0x80, v4, vm0, $0xb8;
	[tilespmem:$0x10200] =	vst v63  }
0xa6: {  	s26 =	simm.s32 $0xDA00  }
0xa7: {  	[hbm4b:s6+s2] =	stream.indirect_vreg.scatter [tilespmem:s26], [sflag:$0x3], $0x80, v4, vm0, $0xb8;
	[tilespmem:$0x10200] =	vst v63  }
0xa8: {  	s28 =	simm.s32 $0xE200  }
0xa9: {  	[hbm4b:s3+s2] =	stream.indirect_vreg.scatter [tilespmem:s28], [sflag:$0x3], $0x80, v3, vm0, $0xb8;
	[tilespmem:$0x10200] =	vst v63  }
0xaa: {  	_ = 	snop  }
0xab: {  	[hbm4b:s4+s2] =	stream.indirect_vreg.scatter [tilespmem:s15], [sflag:$0x3], $0x80, v3, vm0, $0xb8;
	[tilespmem:$0x10200] =	vst v63  }
0xac: {  	_ = 	snop  }
0xad: {  	[hbm4b:s5+s2] =	stream.indirect_vreg.scatter [tilespmem:s16], [sflag:$0x3], $0x80, v3, vm0, $0xb8;
	[tilespmem:$0x10200] =	vst v63  }
0xae: {  	_ = 	snop  }
0xaf: {  	[hbm4b:s6+s2] =	stream.indirect_vreg.scatter [tilespmem:s17], [sflag:$0x3], $0x80, v3, vm0, $0xb8;
	[tilespmem:$0x10200] =	vst v63  }
0xb0: {  	v3 =	vld [tilespmem:$0x180];
	_ =	sdelay $0x4  }
0xb1: {  	v62 =	vshll.u32 v3, $0x3  }
0xb2: {  	v3 =	vand.u32 $0x7, v3;
	v4 =	vand.u32 $0xFFFFFFC0, v62  }
0xb3: {  	v3 =	vor.u32 v3, v4  }
0xb4: {  	v4 =	vperm.xlane v3, v0;
	_ =	sdelay $0x1  }
0xb5: {  	v4 =	vadd.s32 v1, v4;
	_ =	sdelay $0x4  }
0xb6: {  	[hbm4b:s3+s2] =	stream.indirect_vreg.scatter [tilespmem:s25], [sflag:$0x4], $0x80, v4, vm0, $0xb8;
	[tilespmem:$0x10200] =	vst v63  }
0xb7: {  	v3 =	vperm.xlane v3, v2  }
0xb8: {  	[hbm4b:s4+s2] =	stream.indirect_vreg.scatter [tilespmem:s0], [sflag:$0x4], $0x80, v4, vm0, $0xb8;
	[tilespmem:$0x10200] =	vst v63  }
0xb9: {  	v3 =	vadd.s32 v1, v3  }
0xba: {  	[hbm4b:s5+s2] =	stream.indirect_vreg.scatter [tilespmem:s1], [sflag:$0x4], $0x80, v4, vm0, $0xb8;
	[tilespmem:$0x10200] =	vst v63  }
0xbb: {  	_ = 	snop  }
0xbc: {  	[hbm4b:s6+s2] =	stream.indirect_vreg.scatter [tilespmem:s10], [sflag:$0x4], $0x80, v4, vm0, $0xb8;
	[tilespmem:$0x10200] =	vst v63  }
0xbd: {  	_ = 	snop  }
0xbe: {  	[hbm4b:s3+s2] =	stream.indirect_vreg.scatter [tilespmem:s11], [sflag:$0x4], $0x80, v3, vm0, $0xb8;
	[tilespmem:$0x10200] =	vst v63  }
0xbf: {  	_ = 	snop  }
0xc0: {  	[hbm4b:s4+s2] =	stream.indirect_vreg.scatter [tilespmem:s12], [sflag:$0x4], $0x80, v3, vm0, $0xb8;
	[tilespmem:$0x10200] =	vst v63  }
0xc1: {  	_ = 	snop  }
0xc2: {  	[hbm4b:s5+s2] =	stream.indirect_vreg.scatter [tilespmem:s13], [sflag:$0x4], $0x80, v3, vm0, $0xb8;
	[tilespmem:$0x10200] =	vst v63  }
0xc3: {  	_ = 	snop  }
0xc4: {  	[hbm4b:s6+s2] =	stream.indirect_vreg.scatter [tilespmem:s14], [sflag:$0x4], $0x80, v3, vm0, $0xb8;
	[tilespmem:$0x10200] =	vst v63  }
0xc5: {  	v3 =	vld [tilespmem:$0x190];
	_ =	sdelay $0x4  }
0xc6: {  	v63 =	vshll.u32 v3, $0x3  }
0xc7: {  	v3 =	vand.u32 $0x7, v3;
	v4 =	vand.u32 $0xFFFFFFC0, v63  }
0xc8: {  	v3 =	vor.u32 v3, v4  }
0xc9: {  	v4 =	vperm.xlane v3, v0;
	_ =	sdelay $0x1  }
0xca: {  	v4 =	vadd.s32 v1, v4;
	_ =	sdelay $0x4  }
0xcb: {  	[hbm4b:s3+s2] =	stream.indirect_vreg.scatter [tilespmem:s22], [sflag:$0x4], $0x80, v4, vm0, $0xb8;
	[tilespmem:$0x10200] =	vst v63  }
0xcc: {  	v3 =	vperm.xlane v3, v2  }
0xcd: {  	[hbm4b:s4+s2] =	stream.indirect_vreg.scatter [tilespmem:s23], [sflag:$0x4], $0x80, v4, vm0, $0xb8;
	[tilespmem:$0x10200] =	vst v63  }
0xce: {  	v3 =	vadd.s32 v1, v3  }
0xcf: {  	[hbm4b:s5+s2] =	stream.indirect_vreg.scatter [tilespmem:s24], [sflag:$0x4], $0x80, v4, vm0, $0xb8;
	[tilespmem:$0x10200] =	vst v63  }
0xd0: {  	_ = 	snop  }
0xd1: {  	[hbm4b:s6+s2] =	stream.indirect_vreg.scatter [tilespmem:s26], [sflag:$0x4], $0x80, v4, vm0, $0xb8;
	[tilespmem:$0x10200] =	vst v63  }
0xd2: {  	_ = 	snop  }
0xd3: {  	[hbm4b:s3+s2] =	stream.indirect_vreg.scatter [tilespmem:s28], [sflag:$0x4], $0x80, v3, vm0, $0xb8;
	[tilespmem:$0x10200] =	vst v63  }
0xd4: {  	_ = 	snop  }
0xd5: {  	[hbm4b:s4+s2] =	stream.indirect_vreg.scatter [tilespmem:s15], [sflag:$0x4], $0x80, v3, vm0, $0xb8;
	[tilespmem:$0x10200] =	vst v63  }
0xd6: {  	_ = 	snop  }
0xd7: {  	[hbm4b:s5+s2] =	stream.indirect_vreg.scatter [tilespmem:s16], [sflag:$0x4], $0x80, v3, vm0, $0xb8;
	[tilespmem:$0x10200] =	vst v63  }
0xd8: {  	_ = 	snop  }
0xd9: {  	[hbm4b:s6+s2] =	stream.indirect_vreg.scatter [tilespmem:s17], [sflag:$0x4], $0x80, v3, vm0, $0xb8;
	[tilespmem:$0x10200] =	vst v63  }
0xda: {  	_ =	swait.ge [sflag:s18], $0x8000  }
0xdb: {  	[sflag:s18] =	ssyncset.done $0x0  }
0xdc: {  	[sflag:s18] =	ssyncadd.s32 $0xFFFF8000  }
0xdd: {  	_ =	swait.ge [sflag:s19], $0x8000  }
0xde: {  	[sflag:s19] =	ssyncset.done $0x0  }
0xdf: {  	[sflag:s19] =	ssyncadd.s32 $0xFFFF8000  }
0xe0: {  	p0 =	sne.s32 s7, $0x1;
	_ =	swait.ge [sflag:s20], $0x8000  }
.Ltmp0:
0xe1: {  	[sflag:s20] =	ssyncset.done $0x0;
	(pc) =	sbr.rel @p0 .LBB2_1-.Ltmp0, $4  }
0xe2: {  	[sflag:s20] =	ssyncadd.s32 $0xFFFF8000  }
0xe3: {  	_ =	swait.ge [sflag:s21], $0x8000  }
0xe4: {  	[sflag:s21] =	ssyncset.done $0x0  }
0xe5: {  	s7 =	sadd.s32 $0xFFFFFFFF, s7;
	[sflag:s21] =	ssyncadd.s32 $0xFFFF8000  }
0xe6: {  	_ =	sfence.sel $0x180000  }
0xe7: {  	[bflag:$0x0] =	sbarrier.arrive $0xFFFF  }
0xe8: {  	_ =	strace $0x90000047  }
0xe9: {  	s0 =	stileid.u32;
	[bflag:$0x2] =	sbarrier.arrive $0xFFFF  }
0xea: {  	p0 =	sne.s32 s0, $0x0;
	s0 =	rddreg [dreg:$0x4]  }
0xeb: {  	s0 =	sadd.s32 @!p0 $0x100000, s0  }
0xec: {  	[sflag:s0] =	ssyncadd.tile.s32 @!p0 $0x1;
	_ =	shalt  }
.Lfunc_end2:
_tile_overlayer_lowered:
.L_overlay_start_2:
0xed: {  	(tag) =	ssettag $0x2  }
0xee: {  	s0 =	rddreg [dreg:$0x0];
	s2 =	stileid.u32  }
0xef: {  	s1 =	rddreg [dreg:$0x1];
	p0 =	sne.s32 s2, $0x0  }
0xf0: {  	s3 =	rddreg [dreg:$0x2];
	[bflag:$0x3] =	sbarrier.arrive $0xFFFF;
	s2 =	simm.s32 @!p0 $0x1C05  }
0xf1: {  	[timem:s3], [sflag:s2] =	dma.local @!p0 [hbm:s0], s1  }
0xf2: {  	s0 =	simm.s32 @!p0 $0x5  }
0xf3: {  	_ =	swait.ge @!p0 [sflag:s0], s1  }
0xf4: {  	s1 =	ssub.s32 @!p0 $0x0, s1;
	[sflag:s0] =	ssyncset.done @!p0 $0x0  }
0xf5: {  	[sflag:s0] =	ssyncadd.s32 @!p0 s1  }
0xf6: {  	[bflag:$0x3] =	sbarrier.arrive $0xFFFF  }
0xf7: {  	_ =	shalt  }

</sc_bundles>
